<compile_context>
chip_gen: v7x
topology: tpu7x:2x2x1
jax: 0.10.2.dev20260603
libtpu: 0.0.44.dev20260713+nightly
codegen_flags: <defaults>
</compile_context>

<pallas_src>
import functools

import jax
import jax.numpy as jnp
from jax import lax
from jax.experimental import pallas as pl
from jax.experimental.pallas import tpu as pltpu
from jax.experimental.pallas import tpu_sc as plsc

_B, _N, _T = 256, 128, 512
_NTILES = 32
_BPT = _B // _NTILES
_NCH = _T // 16

_DNUMS = lax.GatherDimensionNumbers(
    offset_dims=(), collapsed_slice_dims=(0,), start_index_map=(0,))


def _shuf(x, idx):
    return lax.gather(x, idx.reshape(16, 1), dimension_numbers=_DNUMS,
                      slice_sizes=(1,),
                      mode=lax.GatherScatterMode.PROMISE_IN_BOUNDS)


def _sc_body(spk_hbm, pot_hbm, out_hbm, pbuf, sbuf, mu_v, nr_v, ab_v,
             tvals_v, cl_lo_v, cl_hi_v, res_v):
    f32 = jnp.float32
    i32 = jnp.int32
    cid = lax.axis_index("c")
    sid = lax.axis_index("s")
    wid = sid * 2 + cid
    i16 = lax.iota(i32, 16)
    z16 = jnp.zeros((16,), i32)

    def max_splat(x):
        for st in (8, 4, 2, 1):
            x = jnp.maximum(x, _shuf(x, i16 ^ st))
        return x

    def min_splat(x):
        for st in (8, 4, 2, 1):
            x = jnp.minimum(x, _shuf(x, i16 ^ st))
        return x

    def sum_splat(x):
        for st in (8, 4, 2, 1):
            x = x + _shuf(x, i16 ^ st)
        return x

    def tv_init(j, _):
        tvals_v[pl.ds(j * 16, 16)] = (i16 + (j * 16 + 1)).astype(f32)
        return 0

    lax.fori_loop(0, _NCH, tv_init, 0)

    def batch_body(i, _):
        base = (wid * _BPT + i) * _N
        pltpu.sync_copy(pot_hbm.at[pl.ds(base, _N)], pbuf)

        def mu_group(g, _):
            def mu_row(l, accv):
                n = g * 16 + l

                def chunk_max(j, mx):
                    m1 = jnp.maximum(mx, pbuf[n, pl.ds(j * 32, 16)])
                    return jnp.maximum(m1, pbuf[n, pl.ds(j * 32 + 16, 16)])

                mx = lax.fori_loop(0, _NCH // 2, chunk_max,
                                   jnp.full((16,), -1e30, f32))
                return jnp.where(i16 == l, max_splat(mx), accv)

            accv = lax.fori_loop(0, 16, mu_row, jnp.zeros((16,), f32))
            mu_v[pl.ds(g * 16, 16)] = accv
            return 0

        lax.fori_loop(0, _N // 16, mu_group, 0)

        def nr_group(g, _):
            u = mu_v[pl.ds(g * 16, 16)]
            gidx = i16 + g * 16

            def nr_j(j, acc):
                w = plsc.load_gather(mu_v, [z16 + j])
                hit = (w > u) | ((w == u) & (j < gidx))
                return acc + jnp.where(hit, 1.0, 0.0)

            acc = lax.fori_loop(0, _N, nr_j, jnp.zeros((16,), f32))
            nr_v[pl.ds(g * 16, 16)] = acc + 1.0
            return 0

        lax.fori_loop(0, _N // 16, nr_group, 0)

        def half_body(h, _):
            pltpu.sync_copy(spk_hbm.at[pl.ds(base + h * 64, 64)], sbuf)

            def row_body(r, _):
                n = h * 64 + r
                nrb = plsc.load_gather(nr_v, [z16 + n])
                c512 = 512.0 + nrb

                def a_chunk(j, mn):
                    sv = sbuf[r, pl.ds(j * 32, 16)]
                    tv = tvals_v[pl.ds(j * 32, 16)]
                    av = sv * tv + (1.0 - sv) * c512
                    ab_v[pl.ds(j * 32, 16)] = av
                    sv2 = sbuf[r, pl.ds(j * 32 + 16, 16)]
                    tv2 = tvals_v[pl.ds(j * 32 + 16, 16)]
                    av2 = sv2 * tv2 + (1.0 - sv2) * c512
                    ab_v[pl.ds(j * 32 + 16, 16)] = av2
                    return jnp.minimum(mn, jnp.minimum(av, av2))

                mnv = lax.fori_loop(0, _NCH // 2, a_chunk,
                                    jnp.full((16,), 1e30, f32))
                thr = min_splat(mnv) + 5.12

                cm_lo = jnp.full((16,), 1e30, f32)
                cm_hi = jnp.full((16,), 1e30, f32)
                for l in range(16):
                    cm_lo = jnp.minimum(
                        cm_lo, plsc.load_gather(ab_v, [i16 * 16 + l]))
                    cm_hi = jnp.minimum(
                        cm_hi, plsc.load_gather(ab_v, [i16 * 16 + (256 + l)]))
                msk_lo = cm_lo <= thr
                msk_hi = cm_hi <= thr
                plsc.store_compressed(cl_lo_v.at[pl.ds(0, 16)], i16, mask=msk_lo)
                plsc.store_compressed(cl_hi_v.at[pl.ds(0, 16)], i16 + 16, mask=msk_hi)
                ncl = plsc.all_reduce_population_count(msk_lo)
                nch = plsc.all_reduce_population_count(msk_hi)

                def eval_cand(ct, best):
                    pv = plsc.load_gather(pbuf, [z16 + n, ct])
                    sv = plsc.load_gather(sbuf, [z16 + r, ct])

                    def cnt_chunk(j, acc):
                        pc = pbuf[n, pl.ds(j * 32, 16)]
                        pc2 = pbuf[n, pl.ds(j * 32 + 16, 16)]
                        return (acc + jnp.where(pc > pv, 1.0, 0.0)
                                + jnp.where(pc2 > pv, 1.0, 0.0))

                    accv = lax.fori_loop(0, _NCH // 2, cnt_chunk,
                                         jnp.zeros((16,), f32))
                    trv = sum_splat(accv)
                    ctf = ct.astype(f32)
                    fv = sv * (ctf + 1.0) + (1.0 - sv) * (
                        512.0 + (nrb + 0.01 * trv))
                    return jnp.minimum(best, fv)

                best = jnp.full((16,), 1e30, f32)
                for clref, ncnt in ((cl_lo_v, ncl), (cl_hi_v, nch)):
                    def o_cond(st):
                        return jnp.all(st[0] < ncnt)

                    def o_body(st):
                        cv, best = st
                        jv = plsc.load_gather(clref, [cv])
                        avj = plsc.load_gather(ab_v, [jv * 16 + i16])
                        mskj = avj <= thr

                        def i_cond(st2):
                            return jnp.any(st2[0])

                        def i_body(st2):
                            msk2, best2 = st2
                            lv = plsc.all_reduce_ffs(msk2)
                            ct = jv * 16 + lv
                            best2 = eval_cand(ct, best2)
                            return msk2 & (i16 != lv), best2

                        _, best = lax.while_loop(i_cond, i_body, (mskj, best))
                        return cv + 1, best

                    _, best = lax.while_loop(o_cond, o_body, (z16, best))
                plsc.store_scatter(res_v, [z16 + n], best, mask=i16 == 0)
                return 0

            lax.fori_loop(0, 64, row_body, 0)
            return 0

        lax.fori_loop(0, 2, half_body, 0)
        pltpu.sync_copy(res_v, out_hbm.at[pl.ds(base, _N)])
        return 0

    lax.fori_loop(0, _BPT, batch_body, 0)


def kernel(output_spikes, output_potentials):
    B, N, T = output_spikes.shape
    spk = output_spikes.reshape(B * N, T)
    pot = output_potentials.reshape(B * N, T)
    mesh = plsc.VectorSubcoreMesh(core_axis_name="c", subcore_axis_name="s")
    run = functools.partial(
        pl.kernel,
        out_type=jax.ShapeDtypeStruct((B * N,), jnp.float32),
        mesh=mesh,
        compiler_params=pltpu.CompilerParams(needs_layout_passes=False),
        scratch_types=[
            pltpu.VMEM((N, T), jnp.float32),
            pltpu.VMEM((64, T), jnp.float32),
            pltpu.VMEM((N,), jnp.float32),
            pltpu.VMEM((N,), jnp.float32),
            pltpu.VMEM((T,), jnp.float32),
            pltpu.VMEM((T,), jnp.float32),
            pltpu.VMEM((16,), jnp.int32),
            pltpu.VMEM((16,), jnp.int32),
            pltpu.VMEM((N,), jnp.float32),
        ],
    )(_sc_body)
    out = run(spk, pot)
    return out.reshape(B, N)

# --- scband reference (transcript-rebuilt; emitter-appended) ---
"""Pipeline reference for scband-spike2-time-84705345011803 (READ-ONLY COPY).

The authoritative reference and input builder live on the scoring server;
editing this copy changes nothing except your own understanding.
"""

import jax, jax.numpy as jnp
import numpy as np

B, N, T = 256, 128, 512
D, A = 16, 200


def setup_inputs(seed: int = 0) -> dict:
    key = jax.random.key(seed)
    k1, k2 = jax.random.split(key)
    output_spikes = jax.random.uniform(k1, (B, N, T), dtype=jnp.float32)
    output_potentials = jax.random.normal(k2, (B, N, T), dtype=jnp.float32)
    return {"output_spikes": output_spikes, "output_potentials": output_potentials}


def _spike2time(spikes, potentials):
    Bq, Nq, Tq = spikes.shape
    time_steps = jnp.arange(1, Tq + 1, dtype=spikes.dtype)
    max_u = jnp.max(potentials, axis=-1)
    indices_neuron = jnp.argsort(-max_u, axis=-1)
    M_neuron = jnp.tile(jnp.arange(1.0, Nq + 1.0, dtype=spikes.dtype)[None, :], (Bq, 1))
    b_idx = jnp.arange(Bq)[:, None]
    X_neuron = jnp.zeros((Bq, Nq), dtype=spikes.dtype).at[b_idx, indices_neuron].set(M_neuron)
    X_neuron3 = jnp.repeat(X_neuron[:, :, None], Tq, axis=2)
    indices_time = jnp.argsort(-potentials, axis=-1)
    M_time = jnp.arange(Tq, dtype=spikes.dtype) * 0.01
    M_time3 = jnp.broadcast_to(M_time, (Bq, Nq, Tq))
    bb = jnp.arange(Bq)[:, None, None]
    nn_ = jnp.arange(Nq)[None, :, None]
    X_time = X_neuron3.at[bb, nn_, indices_time].add(M_time3)
    output_times = time_steps * spikes + (Tq + X_time) * (1.0 - spikes)
    return output_times


def reference(output_spikes, output_potentials):
    output_times = _spike2time(output_spikes, output_potentials)
    first_times = jnp.min(output_times, axis=-1)
    return first_times

if __name__ == "__main__":
    import jax
    _d = setup_inputs()
    print(jax.jit(kernel)(*tuple(_d.values())))

</pallas_src>

<mosaic_0001>
#map = affine_map<(d0, d1) -> (0, 0)>
#map1 = affine_map<(d0, d1) -> (0)>
module attributes {stable_mosaic.version = 14 : i64} {
  func.func @_sc_body(%arg0: i32, %arg1: i32, %arg2: memref<32768x512xf32, #tpu.memory_space<hbm>>, %arg3: memref<32768x512xf32, #tpu.memory_space<hbm>>, %arg4: memref<32768xf32, #tpu.memory_space<hbm>>, %arg5: memref<128x512xf32, #tpu.memory_space<vmem>>, %arg6: memref<64x512xf32, #tpu.memory_space<vmem>>, %arg7: memref<128xf32, #tpu.memory_space<vmem>>, %arg8: memref<128xf32, #tpu.memory_space<vmem>>, %arg9: memref<512xf32, #tpu.memory_space<vmem>>, %arg10: memref<512xf32, #tpu.memory_space<vmem>>, %arg11: memref<16xi32, #tpu.memory_space<vmem>>, %arg12: memref<16xi32, #tpu.memory_space<vmem>>, %arg13: memref<128xf32, #tpu.memory_space<vmem>>) attributes {dimension_semantics = [#tpu.dimension_semantics<core_parallel>, #tpu.dimension_semantics<subcore_parallel>], iteration_bounds = array<i64: 2, 16>, scalar_prefetch = 0 : i64, scratch_operands = 9 : i64, tpu.core_type = #tpu.core_type<sc_vector_subcore>, window_params = [{transform_indices = #map}, {transform_indices = #map}, {transform_indices = #map1}]} {
    %mul3A = arith.constant 2 : i32
    %mul3A_0 = arith.muli %arg1, %mul3A : i32
    %add3A = arith.addi %mul3A_0, %arg0 : i32
    %iota3A = tpu.iota {dimensions = array<i32: 0>} : vector<16xi32>
    %broadcast_in_dim3A = arith.constant 0 : i32
    %broadcast_in_dim3A_1 = vector.broadcast %broadcast_in_dim3A : i32 to vector<16xi32>
    %scan3A = arith.constant 0 : i32
    %scan3A_2 = arith.constant 0 : i32
    %scan3A_3 = arith.constant 32 : i32
    %scan3A_4 = arith.addi %scan3A_2, %scan3A_3 : i32
    %scan3A_5 = arith.constant 1 : i32
    %scan3A_6 = scf.for %scan3A_15 = %scan3A_2 to %scan3A_4 step %scan3A_5 iter_args(%scan3A_16 = %scan3A) -> (i32)  : i32 {
      %mul3A_17 = arith.constant 16 : i32
      %mul3A_18 = arith.muli %scan3A_15, %mul3A_17 : i32
      %add3A_19 = arith.constant 1 : i32
      %add3A_20 = arith.addi %mul3A_18, %add3A_19 : i32
      %add3A_21 = vector.broadcast %add3A_20 : i32 to vector<16xi32>
      %add3A_22 = arith.addi %iota3A, %add3A_21 : vector<16xi32>
      %convert_element_type3A = arith.sitofp %add3A_22 : vector<16xi32> to vector<16xf32>
      %mul3A_23 = arith.constant 16 : i32
      %mul3A_24 = arith.muli %scan3A_15, %mul3A_23 : i32
      %swap3A = arith.index_cast %mul3A_24 : i32 to index
      %swap3A_25 = tpu.vector_load %arg10[%swap3A] {strides = array<i32>} : memref<512xf32, #tpu.memory_space<vmem>>, vector<16xf32>,
      tpu.vector_store %arg10[%swap3A], %convert_element_type3A {strides = array<i32>} : memref<512xf32, #tpu.memory_space<vmem>>, vector<16xf32>,
      %scan3A_26 = arith.constant 0 : i32
      scf.yield %scan3A_26 : i32
    }
    %scan3A_7 = arith.constant 32 : i32
    %scan3A_8 = arith.constant 0 : i32
    %scan3A_9 = arith.constant 0 : i32
    %scan3A_10 = arith.constant 8 : i32
    %scan3A_11 = arith.addi %scan3A_9, %scan3A_10 : i32
    %scan3A_12 = arith.constant 1 : i32
    %scan3A_13 = scf.for %scan3A_15 = %scan3A_9 to %scan3A_11 step %scan3A_12 iter_args(%scan3A_16 = %scan3A_8) -> (i32)  : i32 {
      %mul3A_17 = arith.constant 8 : i32
      %mul3A_18 = arith.muli %add3A, %mul3A_17 : i32
      %add3A_19 = arith.addi %mul3A_18, %scan3A_15 : i32
      %mul3A_20 = arith.constant 128 : i32
      %mul3A_21 = arith.muli %add3A_19, %mul3A_20 : i32
      "tpu.region"() ({
        %run_scoped3A = tpu.sem_alloc : memref<!tpu.dma_semaphore, #tpu.memory_space<semaphore_mem>>
        %dma_start3A = arith.constant 0 : i32
        %dma_start3A_44 = tpu.memref_slice %arg3[%mul3A_21, %dma_start3A] : memref<32768x512xf32, #tpu.memory_space<hbm>> -> memref<128x512xf32, #tpu.memory_space<hbm>>
        %dma_start3A_45 = arith.constant 0 : i32
        %dma_start3A_46 = tpu.memref_slice %arg3[%mul3A_21, %dma_start3A_45] : memref<32768x512xf32, #tpu.memory_space<hbm>> -> memref<128x512xf32, #tpu.memory_space<hbm>>
        tpu.enqueue_dma source(%dma_start3A_46 : memref<128x512xf32, #tpu.memory_space<hbm>>) target(%arg5 : memref<128x512xf32, #tpu.memory_space<vmem>>) target_semaphore(%run_scoped3A : memref<!tpu.dma_semaphore, #tpu.memory_space<semaphore_mem>>)
        %dma_wait3A = arith.constant 0 : i32
        %dma_wait3A_47 = tpu.memref_slice %arg3[%mul3A_21, %dma_wait3A] : memref<32768x512xf32, #tpu.memory_space<hbm>> -> memref<128x512xf32, #tpu.memory_space<hbm>>
        %dma_wait3A_48 = arith.constant 0 : i32
        %dma_wait3A_49 = tpu.memref_slice %arg3[%mul3A_21, %dma_wait3A_48] : memref<32768x512xf32, #tpu.memory_space<hbm>> -> memref<128x512xf32, #tpu.memory_space<hbm>>
        tpu.wait_dma2 semaphore(%run_scoped3A : memref<!tpu.dma_semaphore, #tpu.memory_space<semaphore_mem>>) src(%dma_wait3A_49 : memref<128x512xf32, #tpu.memory_space<hbm>>) dst(%arg5 : memref<128x512xf32, #tpu.memory_space<vmem>>)
        tpu.yield
      }) : () -> ()
      %scan3A_22 = arith.constant 0 : i32
      %scan3A_23 = arith.constant 0 : i32
      %scan3A_24 = arith.constant 8 : i32
      %scan3A_25 = arith.addi %scan3A_23, %scan3A_24 : i32
      %scan3A_26 = arith.constant 1 : i32
      %scan3A_27 = scf.for %scan3A_44 = %scan3A_23 to %scan3A_25 step %scan3A_26 iter_args(%scan3A_45 = %scan3A_22) -> (i32)  : i32 {
        %broadcast_in_dim3A_46 = arith.constant 0.000000e+00 : f32
        %broadcast_in_dim3A_47 = vector.broadcast %broadcast_in_dim3A_46 : f32 to vector<16xf32>
        %scan3A_48 = arith.constant 0 : i32
        %scan3A_49 = arith.constant 16 : i32
        %scan3A_50 = arith.addi %scan3A_48, %scan3A_49 : i32
        %scan3A_51 = arith.constant 1 : i32
        %scan3A_52 = scf.for %scan3A_58 = %scan3A_48 to %scan3A_50 step %scan3A_51 iter_args(%scan3A_59 = %broadcast_in_dim3A_47) -> (vector<16xf32>)  : i32 {
          %mul3A_60 = arith.constant 16 : i32
          %mul3A_61 = arith.muli %scan3A_44, %mul3A_60 : i32
          %add3A_62 = arith.addi %mul3A_61, %scan3A_58 : i32
          %broadcast_in_dim3A_63 = arith.constant -1.000000e+30 : f32
          %broadcast_in_dim3A_64 = vector.broadcast %broadcast_in_dim3A_63 : f32 to vector<16xf32>
          %scan3A_65 = arith.constant 0 : i32
          %scan3A_66 = arith.constant 16 : i32
          %scan3A_67 = arith.addi %scan3A_65, %scan3A_66 : i32
          %scan3A_68 = arith.constant 1 : i32
          %scan3A_69 = scf.for %scan3A_96 = %scan3A_65 to %scan3A_67 step %scan3A_68 iter_args(%scan3A_97 = %broadcast_in_dim3A_64) -> (vector<16xf32>)  : i32 {
            %mul3A_98 = arith.constant 32 : i32
            %mul3A_99 = arith.muli %scan3A_96, %mul3A_98 : i32
            %get3A = arith.index_cast %add3A_62 : i32 to index
            %get3A_100 = arith.index_cast %mul3A_99 : i32 to index
            %get3A_101 = tpu.vector_load %arg5[%get3A, %get3A_100] {strides = array<i32>} : memref<128x512xf32, #tpu.memory_space<vmem>>, vector<16xf32>,
            %max3A_102 = arith.maximumf %scan3A_97, %get3A_101 : vector<16xf32>
            %mul3A_103 = arith.constant 32 : i32
            %mul3A_104 = arith.muli %scan3A_96, %mul3A_103 : i32
            %add3A_105 = arith.constant 16 : i32
            %add3A_106 = arith.addi %mul3A_104, %add3A_105 : i32
            %get3A_107 = arith.index_cast %add3A_62 : i32 to index
            %get3A_108 = arith.index_cast %add3A_106 : i32 to index
            %get3A_109 = tpu.vector_load %arg5[%get3A_107, %get3A_108] {strides = array<i32>} : memref<128x512xf32, #tpu.memory_space<vmem>>, vector<16xf32>,
            %max3A_110 = arith.maximumf %max3A_102, %get3A_109 : vector<16xf32>
            scf.yield %max3A_110 : vector<16xf32>
          }
          %scan3A_70 = arith.constant 16 : i32
          %eq3A = vector.broadcast %scan3A_58 : i32 to vector<16xi32>
          %eq3A_71 = arith.cmpi eq, %iota3A, %eq3A : vector<16xi32>
          %xor3A = arith.constant 8 : i32
          %xor3A_72 = vector.broadcast %xor3A : i32 to vector<16xi32>
          %xor3A_73 = arith.xori %iota3A, %xor3A_72 : vector<16xi32>
          %reshape3A = vector.shape_cast %xor3A_73 : vector<16xi32> to vector<16x1xi32>
          %gather3A = vector.shape_cast %reshape3A : vector<16x1xi32> to vector<16xi32>
          %gather3A_74 = tpu.dynamic_gather %scan3A_69[%gather3A] in [0] : vector<16xf32>, vector<16xi32> -> vector<16xf32>
          %max3A = arith.maximumf %scan3A_69, %gather3A_74 : vector<16xf32>
          %xor3A_75 = arith.constant 4 : i32
          %xor3A_76 = vector.broadcast %xor3A_75 : i32 to vector<16xi32>
          %xor3A_77 = arith.xori %iota3A, %xor3A_76 : vector<16xi32>
          %reshape3A_78 = vector.shape_cast %xor3A_77 : vector<16xi32> to vector<16x1xi32>
          %gather3A_79 = vector.shape_cast %reshape3A_78 : vector<16x1xi32> to vector<16xi32>
          %gather3A_80 = tpu.dynamic_gather %max3A[%gather3A_79] in [0] : vector<16xf32>, vector<16xi32> -> vector<16xf32>
          %max3A_81 = arith.maximumf %max3A, %gather3A_80 : vector<16xf32>
          %xor3A_82 = arith.constant 2 : i32
          %xor3A_83 = vector.broadcast %xor3A_82 : i32 to vector<16xi32>
          %xor3A_84 = arith.xori %iota3A, %xor3A_83 : vector<16xi32>
          %reshape3A_85 = vector.shape_cast %xor3A_84 : vector<16xi32> to vector<16x1xi32>
          %gather3A_86 = vector.shape_cast %reshape3A_85 : vector<16x1xi32> to vector<16xi32>
          %gather3A_87 = tpu.dynamic_gather %max3A_81[%gather3A_86] in [0] : vector<16xf32>, vector<16xi32> -> vector<16xf32>
          %max3A_88 = arith.maximumf %max3A_81, %gather3A_87 : vector<16xf32>
          %xor3A_89 = arith.constant 1 : i32
          %xor3A_90 = vector.broadcast %xor3A_89 : i32 to vector<16xi32>
          %xor3A_91 = arith.xori %iota3A, %xor3A_90 : vector<16xi32>
          %reshape3A_92 = vector.shape_cast %xor3A_91 : vector<16xi32> to vector<16x1xi32>
          %gather3A_93 = vector.shape_cast %reshape3A_92 : vector<16x1xi32> to vector<16xi32>
          %gather3A_94 = tpu.dynamic_gather %max3A_88[%gather3A_93] in [0] : vector<16xf32>, vector<16xi32> -> vector<16xf32>
          %max3A_95 = arith.maximumf %max3A_88, %gather3A_94 : vector<16xf32>
          %select_n3A = arith.select %eq3A_71, %max3A_95, %scan3A_59 : vector<16xi1>, vector<16xf32>
          scf.yield %select_n3A : vector<16xf32>
        }
        %scan3A_53 = arith.constant 16 : i32
        %mul3A_54 = arith.constant 16 : i32
        %mul3A_55 = arith.muli %scan3A_44, %mul3A_54 : i32
        %swap3A = arith.index_cast %mul3A_55 : i32 to index
        %swap3A_56 = tpu.vector_load %arg7[%swap3A] {strides = array<i32>} : memref<128xf32, #tpu.memory_space<vmem>>, vector<16xf32>,
        tpu.vector_store %arg7[%swap3A], %scan3A_52 {strides = array<i32>} : memref<128xf32, #tpu.memory_space<vmem>>, vector<16xf32>,
        %scan3A_57 = arith.constant 0 : i32
        scf.yield %scan3A_57 : i32
      }
      %scan3A_28 = arith.constant 8 : i32
      %scan3A_29 = arith.constant 0 : i32
      %scan3A_30 = arith.constant 0 : i32
      %scan3A_31 = arith.constant 8 : i32
      %scan3A_32 = arith.addi %scan3A_30, %scan3A_31 : i32
      %scan3A_33 = arith.constant 1 : i32
      %scan3A_34 = scf.for %scan3A_44 = %scan3A_30 to %scan3A_32 step %scan3A_33 iter_args(%scan3A_45 = %scan3A_29) -> (i32)  : i32 {
        %mul3A_46 = arith.constant 16 : i32
        %mul3A_47 = arith.muli %scan3A_44, %mul3A_46 : i32
        %get3A = arith.index_cast %mul3A_47 : i32 to index
        %get3A_48 = tpu.vector_load %arg7[%get3A] {strides = array<i32>} : memref<128xf32, #tpu.memory_space<vmem>>, vector<16xf32>,
        %mul3A_49 = arith.constant 16 : i32
        %mul3A_50 = arith.muli %scan3A_44, %mul3A_49 : i32
        %add3A_51 = vector.broadcast %mul3A_50 : i32 to vector<16xi32>
        %add3A_52 = arith.addi %iota3A, %add3A_51 : vector<16xi32>
        %broadcast_in_dim3A_53 = arith.constant 0.000000e+00 : f32
        %broadcast_in_dim3A_54 = vector.broadcast %broadcast_in_dim3A_53 : f32 to vector<16xf32>
        %scan3A_55 = arith.constant 0 : i32
        %scan3A_56 = arith.constant 128 : i32
        %scan3A_57 = arith.addi %scan3A_55, %scan3A_56 : i32
        %scan3A_58 = arith.constant 1 : i32
        %scan3A_59 = scf.for %scan3A_68 = %scan3A_55 to %scan3A_57 step %scan3A_58 iter_args(%scan3A_69 = %broadcast_in_dim3A_54) -> (vector<16xf32>)  : i32 {
          %add3A_70 = vector.broadcast %scan3A_68 : i32 to vector<16xi32>
          %add3A_71 = arith.addi %broadcast_in_dim3A_1, %add3A_70 : vector<16xi32>
          %gather3A = tpu.vector_load_idx %arg7[%add3A_71] : memref<128xf32, #tpu.memory_space<vmem>>[vector<16xi32>], vector<16xf32>,
          %gt3A = arith.cmpf ogt, %gather3A, %get3A_48 : vector<16xf32>
          %eq3A = arith.cmpf oeq, %gather3A, %get3A_48 : vector<16xf32>
          %lt3A = vector.broadcast %scan3A_68 : i32 to vector<16xi32>
          %lt3A_72 = arith.cmpi slt, %lt3A, %add3A_52 : vector<16xi32>
          %and3A = arith.andi %eq3A, %lt3A_72 : vector<16xi1>
          %or3A = arith.ori %gt3A, %and3A : vector<16xi1>
          %jit3A = arith.constant 1.000000e+00 : f32
          %jit3A_73 = arith.constant 0.000000e+00 : f32
          %broadcast_in_dim3A_74 = vector.broadcast %jit3A : f32 to vector<16xf32>
          %broadcast_in_dim3A_75 = vector.broadcast %jit3A_73 : f32 to vector<16xf32>
          %select_n3A = arith.select %or3A, %broadcast_in_dim3A_74, %broadcast_in_dim3A_75 : vector<16xi1>, vector<16xf32>
          %add3A_76 = arith.addf %scan3A_69, %select_n3A : vector<16xf32>
          scf.yield %add3A_76 : vector<16xf32>
        }
        %scan3A_60 = arith.constant 128 : i32
        %add3A_61 = arith.constant 1.000000e+00 : f32
        %add3A_62 = vector.broadcast %add3A_61 : f32 to vector<16xf32>
        %add3A_63 = arith.addf %scan3A_59, %add3A_62 : vector<16xf32>
        %mul3A_64 = arith.constant 16 : i32
        %mul3A_65 = arith.muli %scan3A_44, %mul3A_64 : i32
        %swap3A = arith.index_cast %mul3A_65 : i32 to index
        %swap3A_66 = tpu.vector_load %arg8[%swap3A] {strides = array<i32>} : memref<128xf32, #tpu.memory_space<vmem>>, vector<16xf32>,
        tpu.vector_store %arg8[%swap3A], %add3A_63 {strides = array<i32>} : memref<128xf32, #tpu.memory_space<vmem>>, vector<16xf32>,
        %scan3A_67 = arith.constant 0 : i32
        scf.yield %scan3A_67 : i32
      }
      %scan3A_35 = arith.constant 8 : i32
      %scan3A_36 = arith.constant 0 : i32
      %scan3A_37 = arith.constant 0 : i32
      %scan3A_38 = arith.constant 2 : i32
      %scan3A_39 = arith.addi %scan3A_37, %scan3A_38 : i32
      %scan3A_40 = arith.constant 1 : i32
      %scan3A_41 = scf.for %scan3A_44 = %scan3A_37 to %scan3A_39 step %scan3A_40 iter_args(%scan3A_45 = %scan3A_36) -> (i32)  : i32 {
        %mul3A_46 = arith.constant 64 : i32
        %mul3A_47 = arith.muli %scan3A_44, %mul3A_46 : i32
        %add3A_48 = arith.addi %mul3A_21, %mul3A_47 : i32
        "tpu.region"() ({
          %run_scoped3A = tpu.sem_alloc : memref<!tpu.dma_semaphore, #tpu.memory_space<semaphore_mem>>
          %dma_start3A = arith.constant 0 : i32
          %dma_start3A_57 = tpu.memref_slice %arg2[%add3A_48, %dma_start3A] : memref<32768x512xf32, #tpu.memory_space<hbm>> -> memref<64x512xf32, #tpu.memory_space<hbm>>
          %dma_start3A_58 = arith.constant 0 : i32
          %dma_start3A_59 = tpu.memref_slice %arg2[%add3A_48, %dma_start3A_58] : memref<32768x512xf32, #tpu.memory_space<hbm>> -> memref<64x512xf32, #tpu.memory_space<hbm>>
          tpu.enqueue_dma source(%dma_start3A_59 : memref<64x512xf32, #tpu.memory_space<hbm>>) target(%arg6 : memref<64x512xf32, #tpu.memory_space<vmem>>) target_semaphore(%run_scoped3A : memref<!tpu.dma_semaphore, #tpu.memory_space<semaphore_mem>>)
          %dma_wait3A = arith.constant 0 : i32
          %dma_wait3A_60 = tpu.memref_slice %arg2[%add3A_48, %dma_wait3A] : memref<32768x512xf32, #tpu.memory_space<hbm>> -> memref<64x512xf32, #tpu.memory_space<hbm>>
          %dma_wait3A_61 = arith.constant 0 : i32
          %dma_wait3A_62 = tpu.memref_slice %arg2[%add3A_48, %dma_wait3A_61] : memref<32768x512xf32, #tpu.memory_space<hbm>> -> memref<64x512xf32, #tpu.memory_space<hbm>>
          tpu.wait_dma2 semaphore(%run_scoped3A : memref<!tpu.dma_semaphore, #tpu.memory_space<semaphore_mem>>) src(%dma_wait3A_62 : memref<64x512xf32, #tpu.memory_space<hbm>>) dst(%arg6 : memref<64x512xf32, #tpu.memory_space<vmem>>)
          tpu.yield
        }) : () -> ()
        %scan3A_49 = arith.constant 0 : i32
        %scan3A_50 = arith.constant 0 : i32
        %scan3A_51 = arith.constant 64 : i32
        %scan3A_52 = arith.addi %scan3A_50, %scan3A_51 : i32
        %scan3A_53 = arith.constant 1 : i32
        %scan3A_54 = scf.for %scan3A_57 = %scan3A_50 to %scan3A_52 step %scan3A_53 iter_args(%scan3A_58 = %scan3A_49) -> (i32)  : i32 {
          %mul3A_59 = arith.constant 64 : i32
          %mul3A_60 = arith.muli %scan3A_44, %mul3A_59 : i32
          %add3A_61 = arith.addi %mul3A_60, %scan3A_57 : i32
          %add3A_62 = vector.broadcast %add3A_61 : i32 to vector<16xi32>
          %add3A_63 = arith.addi %broadcast_in_dim3A_1, %add3A_62 : vector<16xi32>
          %gather3A = tpu.vector_load_idx %arg8[%add3A_63] : memref<128xf32, #tpu.memory_space<vmem>>[vector<16xi32>], vector<16xf32>,
          %add3A_64 = arith.constant 5.120000e+02 : f32
          %add3A_65 = vector.broadcast %add3A_64 : f32 to vector<16xf32>
          %add3A_66 = arith.addf %add3A_65, %gather3A : vector<16xf32>
          %broadcast_in_dim3A_67 = arith.constant 1.000000e+30 : f32
          %broadcast_in_dim3A_68 = vector.broadcast %broadcast_in_dim3A_67 : f32 to vector<16xf32>
          %scan3A_69 = arith.constant 0 : i32
          %scan3A_70 = arith.constant 16 : i32
          %scan3A_71 = arith.addi %scan3A_69, %scan3A_70 : i32
          %scan3A_72 = arith.constant 1 : i32
          %scan3A_73 = scf.for %scan3A_379 = %scan3A_69 to %scan3A_71 step %scan3A_72 iter_args(%scan3A_380 = %broadcast_in_dim3A_68) -> (vector<16xf32>)  : i32 {
            %mul3A_381 = arith.constant 32 : i32
            %mul3A_382 = arith.muli %scan3A_379, %mul3A_381 : i32
            %get3A = arith.index_cast %scan3A_57 : i32 to index
            %get3A_383 = arith.index_cast %mul3A_382 : i32 to index
            %get3A_384 = tpu.vector_load %arg6[%get3A, %get3A_383] {strides = array<i32>} : memref<64x512xf32, #tpu.memory_space<vmem>>, vector<16xf32>,
            %mul3A_385 = arith.constant 32 : i32
            %mul3A_386 = arith.muli %scan3A_379, %mul3A_385 : i32
            %get3A_387 = arith.index_cast %mul3A_386 : i32 to index
            %get3A_388 = tpu.vector_load %arg10[%get3A_387] {strides = array<i32>} : memref<512xf32, #tpu.memory_space<vmem>>, vector<16xf32>,
            %mul3A_389 = arith.mulf %get3A_384, %get3A_388 : vector<16xf32>
            %sub3A = arith.constant 1.000000e+00 : f32
            %sub3A_390 = vector.broadcast %sub3A : f32 to vector<16xf32>
            %sub3A_391 = arith.subf %sub3A_390, %get3A_384 : vector<16xf32>
            %mul3A_392 = arith.mulf %sub3A_391, %add3A_66 : vector<16xf32>
            %add3A_393 = arith.addf %mul3A_389, %mul3A_392 : vector<16xf32>
            %mul3A_394 = arith.constant 32 : i32
            %mul3A_395 = arith.muli %scan3A_379, %mul3A_394 : i32
            %swap3A_396 = arith.index_cast %mul3A_395 : i32 to index
            %swap3A_397 = tpu.vector_load %arg9[%swap3A_396] {strides = array<i32>} : memref<512xf32, #tpu.memory_space<vmem>>, vector<16xf32>,
            tpu.vector_store %arg9[%swap3A_396], %add3A_393 {strides = array<i32>} : memref<512xf32, #tpu.memory_space<vmem>>, vector<16xf32>,
            %mul3A_398 = arith.constant 32 : i32
            %mul3A_399 = arith.muli %scan3A_379, %mul3A_398 : i32
            %add3A_400 = arith.constant 16 : i32
            %add3A_401 = arith.addi %mul3A_399, %add3A_400 : i32
            %get3A_402 = arith.index_cast %scan3A_57 : i32 to index
            %get3A_403 = arith.index_cast %add3A_401 : i32 to index
            %get3A_404 = tpu.vector_load %arg6[%get3A_402, %get3A_403] {strides = array<i32>} : memref<64x512xf32, #tpu.memory_space<vmem>>, vector<16xf32>,
            %mul3A_405 = arith.constant 32 : i32
            %mul3A_406 = arith.muli %scan3A_379, %mul3A_405 : i32
            %add3A_407 = arith.constant 16 : i32
            %add3A_408 = arith.addi %mul3A_406, %add3A_407 : i32
            %get3A_409 = arith.index_cast %add3A_408 : i32 to index
            %get3A_410 = tpu.vector_load %arg10[%get3A_409] {strides = array<i32>} : memref<512xf32, #tpu.memory_space<vmem>>, vector<16xf32>,
            %mul3A_411 = arith.mulf %get3A_404, %get3A_410 : vector<16xf32>
            %sub3A_412 = arith.constant 1.000000e+00 : f32
            %sub3A_413 = vector.broadcast %sub3A_412 : f32 to vector<16xf32>
            %sub3A_414 = arith.subf %sub3A_413, %get3A_404 : vector<16xf32>
            %mul3A_415 = arith.mulf %sub3A_414, %add3A_66 : vector<16xf32>
            %add3A_416 = arith.addf %mul3A_411, %mul3A_415 : vector<16xf32>
            %mul3A_417 = arith.constant 32 : i32
            %mul3A_418 = arith.muli %scan3A_379, %mul3A_417 : i32
            %add3A_419 = arith.constant 16 : i32
            %add3A_420 = arith.addi %mul3A_418, %add3A_419 : i32
            %swap3A_421 = arith.index_cast %add3A_420 : i32 to index
            %swap3A_422 = tpu.vector_load %arg9[%swap3A_421] {strides = array<i32>} : memref<512xf32, #tpu.memory_space<vmem>>, vector<16xf32>,
            tpu.vector_store %arg9[%swap3A_421], %add3A_416 {strides = array<i32>} : memref<512xf32, #tpu.memory_space<vmem>>, vector<16xf32>,
            %min3A_423 = arith.minimumf %add3A_393, %add3A_416 : vector<16xf32>
            %min3A_424 = arith.minimumf %scan3A_380, %min3A_423 : vector<16xf32>
            scf.yield %min3A_424 : vector<16xf32>
          }
          %scan3A_74 = arith.constant 16 : i32
          %xor3A = arith.constant 8 : i32
          %xor3A_75 = vector.broadcast %xor3A : i32 to vector<16xi32>
          %xor3A_76 = arith.xori %iota3A, %xor3A_75 : vector<16xi32>
          %reshape3A = vector.shape_cast %xor3A_76 : vector<16xi32> to vector<16x1xi32>
          %gather3A_77 = vector.shape_cast %reshape3A : vector<16x1xi32> to vector<16xi32>
          %gather3A_78 = tpu.dynamic_gather %scan3A_73[%gather3A_77] in [0] : vector<16xf32>, vector<16xi32> -> vector<16xf32>
          %min3A = arith.minimumf %scan3A_73, %gather3A_78 : vector<16xf32>
          %xor3A_79 = arith.constant 4 : i32
          %xor3A_80 = vector.broadcast %xor3A_79 : i32 to vector<16xi32>
          %xor3A_81 = arith.xori %iota3A, %xor3A_80 : vector<16xi32>
          %reshape3A_82 = vector.shape_cast %xor3A_81 : vector<16xi32> to vector<16x1xi32>
          %gather3A_83 = vector.shape_cast %reshape3A_82 : vector<16x1xi32> to vector<16xi32>
          %gather3A_84 = tpu.dynamic_gather %min3A[%gather3A_83] in [0] : vector<16xf32>, vector<16xi32> -> vector<16xf32>
          %min3A_85 = arith.minimumf %min3A, %gather3A_84 : vector<16xf32>
          %xor3A_86 = arith.constant 2 : i32
          %xor3A_87 = vector.broadcast %xor3A_86 : i32 to vector<16xi32>
          %xor3A_88 = arith.xori %iota3A, %xor3A_87 : vector<16xi32>
          %reshape3A_89 = vector.shape_cast %xor3A_88 : vector<16xi32> to vector<16x1xi32>
          %gather3A_90 = vector.shape_cast %reshape3A_89 : vector<16x1xi32> to vector<16xi32>
          %gather3A_91 = tpu.dynamic_gather %min3A_85[%gather3A_90] in [0] : vector<16xf32>, vector<16xi32> -> vector<16xf32>
          %min3A_92 = arith.minimumf %min3A_85, %gather3A_91 : vector<16xf32>
          %xor3A_93 = arith.constant 1 : i32
          %xor3A_94 = vector.broadcast %xor3A_93 : i32 to vector<16xi32>
          %xor3A_95 = arith.xori %iota3A, %xor3A_94 : vector<16xi32>
          %reshape3A_96 = vector.shape_cast %xor3A_95 : vector<16xi32> to vector<16x1xi32>
          %gather3A_97 = vector.shape_cast %reshape3A_96 : vector<16x1xi32> to vector<16xi32>
          %gather3A_98 = tpu.dynamic_gather %min3A_92[%gather3A_97] in [0] : vector<16xf32>, vector<16xi32> -> vector<16xf32>
          %min3A_99 = arith.minimumf %min3A_92, %gather3A_98 : vector<16xf32>
          %add3A_100 = arith.constant 5.120000e+00 : f32
          %add3A_101 = vector.broadcast %add3A_100 : f32 to vector<16xf32>
          %add3A_102 = arith.addf %min3A_99, %add3A_101 : vector<16xf32>
          %broadcast_in_dim3A_103 = arith.constant 1.000000e+30 : f32
          %broadcast_in_dim3A_104 = vector.broadcast %broadcast_in_dim3A_103 : f32 to vector<16xf32>
          %broadcast_in_dim3A_105 = arith.constant 1.000000e+30 : f32
          %broadcast_in_dim3A_106 = vector.broadcast %broadcast_in_dim3A_105 : f32 to vector<16xf32>
          %mul3A_107 = arith.constant 16 : i32
          %mul3A_108 = vector.broadcast %mul3A_107 : i32 to vector<16xi32>
          %mul3A_109 = arith.muli %iota3A, %mul3A_108 : vector<16xi32>
          %add3A_110 = arith.constant 0 : i32
          %add3A_111 = vector.broadcast %add3A_110 : i32 to vector<16xi32>
          %add3A_112 = arith.addi %mul3A_109, %add3A_111 : vector<16xi32>
          %gather3A_113 = tpu.vector_load_idx %arg9[%add3A_112] : memref<512xf32, #tpu.memory_space<vmem>>[vector<16xi32>], vector<16xf32>,
          %min3A_114 = arith.minimumf %broadcast_in_dim3A_104, %gather3A_113 : vector<16xf32>
          %mul3A_115 = arith.constant 16 : i32
          %mul3A_116 = vector.broadcast %mul3A_115 : i32 to vector<16xi32>
          %mul3A_117 = arith.muli %iota3A, %mul3A_116 : vector<16xi32>
          %add3A_118 = arith.constant 256 : i32
          %add3A_119 = vector.broadcast %add3A_118 : i32 to vector<16xi32>
          %add3A_120 = arith.addi %mul3A_117, %add3A_119 : vector<16xi32>
          %gather3A_121 = tpu.vector_load_idx %arg9[%add3A_120] : memref<512xf32, #tpu.memory_space<vmem>>[vector<16xi32>], vector<16xf32>,
          %min3A_122 = arith.minimumf %broadcast_in_dim3A_106, %gather3A_121 : vector<16xf32>
          %mul3A_123 = arith.constant 16 : i32
          %mul3A_124 = vector.broadcast %mul3A_123 : i32 to vector<16xi32>
          %mul3A_125 = arith.muli %iota3A, %mul3A_124 : vector<16xi32>
          %add3A_126 = arith.constant 1 : i32
          %add3A_127 = vector.broadcast %add3A_126 : i32 to vector<16xi32>
          %add3A_128 = arith.addi %mul3A_125, %add3A_127 : vector<16xi32>
          %gather3A_129 = tpu.vector_load_idx %arg9[%add3A_128] : memref<512xf32, #tpu.memory_space<vmem>>[vector<16xi32>], vector<16xf32>,
          %min3A_130 = arith.minimumf %min3A_114, %gather3A_129 : vector<16xf32>
          %mul3A_131 = arith.constant 16 : i32
          %mul3A_132 = vector.broadcast %mul3A_131 : i32 to vector<16xi32>
          %mul3A_133 = arith.muli %iota3A, %mul3A_132 : vector<16xi32>
          %add3A_134 = arith.constant 257 : i32
          %add3A_135 = vector.broadcast %add3A_134 : i32 to vector<16xi32>
          %add3A_136 = arith.addi %mul3A_133, %add3A_135 : vector<16xi32>
          %gather3A_137 = tpu.vector_load_idx %arg9[%add3A_136] : memref<512xf32, #tpu.memory_space<vmem>>[vector<16xi32>], vector<16xf32>,
          %min3A_138 = arith.minimumf %min3A_122, %gather3A_137 : vector<16xf32>
          %mul3A_139 = arith.constant 16 : i32
          %mul3A_140 = vector.broadcast %mul3A_139 : i32 to vector<16xi32>
          %mul3A_141 = arith.muli %iota3A, %mul3A_140 : vector<16xi32>
          %add3A_142 = arith.constant 2 : i32
          %add3A_143 = vector.broadcast %add3A_142 : i32 to vector<16xi32>
          %add3A_144 = arith.addi %mul3A_141, %add3A_143 : vector<16xi32>
          %gather3A_145 = tpu.vector_load_idx %arg9[%add3A_144] : memref<512xf32, #tpu.memory_space<vmem>>[vector<16xi32>], vector<16xf32>,
          %min3A_146 = arith.minimumf %min3A_130, %gather3A_145 : vector<16xf32>
          %mul3A_147 = arith.constant 16 : i32
          %mul3A_148 = vector.broadcast %mul3A_147 : i32 to vector<16xi32>
          %mul3A_149 = arith.muli %iota3A, %mul3A_148 : vector<16xi32>
          %add3A_150 = arith.constant 258 : i32
          %add3A_151 = vector.broadcast %add3A_150 : i32 to vector<16xi32>
          %add3A_152 = arith.addi %mul3A_149, %add3A_151 : vector<16xi32>
          %gather3A_153 = tpu.vector_load_idx %arg9[%add3A_152] : memref<512xf32, #tpu.memory_space<vmem>>[vector<16xi32>], vector<16xf32>,
          %min3A_154 = arith.minimumf %min3A_138, %gather3A_153 : vector<16xf32>
          %mul3A_155 = arith.constant 16 : i32
          %mul3A_156 = vector.broadcast %mul3A_155 : i32 to vector<16xi32>
          %mul3A_157 = arith.muli %iota3A, %mul3A_156 : vector<16xi32>
          %add3A_158 = arith.constant 3 : i32
          %add3A_159 = vector.broadcast %add3A_158 : i32 to vector<16xi32>
          %add3A_160 = arith.addi %mul3A_157, %add3A_159 : vector<16xi32>
          %gather3A_161 = tpu.vector_load_idx %arg9[%add3A_160] : memref<512xf32, #tpu.memory_space<vmem>>[vector<16xi32>], vector<16xf32>,
          %min3A_162 = arith.minimumf %min3A_146, %gather3A_161 : vector<16xf32>
          %mul3A_163 = arith.constant 16 : i32
          %mul3A_164 = vector.broadcast %mul3A_163 : i32 to vector<16xi32>
          %mul3A_165 = arith.muli %iota3A, %mul3A_164 : vector<16xi32>
          %add3A_166 = arith.constant 259 : i32
          %add3A_167 = vector.broadcast %add3A_166 : i32 to vector<16xi32>
          %add3A_168 = arith.addi %mul3A_165, %add3A_167 : vector<16xi32>
          %gather3A_169 = tpu.vector_load_idx %arg9[%add3A_168] : memref<512xf32, #tpu.memory_space<vmem>>[vector<16xi32>], vector<16xf32>,
          %min3A_170 = arith.minimumf %min3A_154, %gather3A_169 : vector<16xf32>
          %mul3A_171 = arith.constant 16 : i32
          %mul3A_172 = vector.broadcast %mul3A_171 : i32 to vector<16xi32>
          %mul3A_173 = arith.muli %iota3A, %mul3A_172 : vector<16xi32>
          %add3A_174 = arith.constant 4 : i32
          %add3A_175 = vector.broadcast %add3A_174 : i32 to vector<16xi32>
          %add3A_176 = arith.addi %mul3A_173, %add3A_175 : vector<16xi32>
          %gather3A_177 = tpu.vector_load_idx %arg9[%add3A_176] : memref<512xf32, #tpu.memory_space<vmem>>[vector<16xi32>], vector<16xf32>,
          %min3A_178 = arith.minimumf %min3A_162, %gather3A_177 : vector<16xf32>
          %mul3A_179 = arith.constant 16 : i32
          %mul3A_180 = vector.broadcast %mul3A_179 : i32 to vector<16xi32>
          %mul3A_181 = arith.muli %iota3A, %mul3A_180 : vector<16xi32>
          %add3A_182 = arith.constant 260 : i32
          %add3A_183 = vector.broadcast %add3A_182 : i32 to vector<16xi32>
          %add3A_184 = arith.addi %mul3A_181, %add3A_183 : vector<16xi32>
          %gather3A_185 = tpu.vector_load_idx %arg9[%add3A_184] : memref<512xf32, #tpu.memory_space<vmem>>[vector<16xi32>], vector<16xf32>,
          %min3A_186 = arith.minimumf %min3A_170, %gather3A_185 : vector<16xf32>
          %mul3A_187 = arith.constant 16 : i32
          %mul3A_188 = vector.broadcast %mul3A_187 : i32 to vector<16xi32>
          %mul3A_189 = arith.muli %iota3A, %mul3A_188 : vector<16xi32>
          %add3A_190 = arith.constant 5 : i32
          %add3A_191 = vector.broadcast %add3A_190 : i32 to vector<16xi32>
          %add3A_192 = arith.addi %mul3A_189, %add3A_191 : vector<16xi32>
          %gather3A_193 = tpu.vector_load_idx %arg9[%add3A_192] : memref<512xf32, #tpu.memory_space<vmem>>[vector<16xi32>], vector<16xf32>,
          %min3A_194 = arith.minimumf %min3A_178, %gather3A_193 : vector<16xf32>
          %mul3A_195 = arith.constant 16 : i32
          %mul3A_196 = vector.broadcast %mul3A_195 : i32 to vector<16xi32>
          %mul3A_197 = arith.muli %iota3A, %mul3A_196 : vector<16xi32>
          %add3A_198 = arith.constant 261 : i32
          %add3A_199 = vector.broadcast %add3A_198 : i32 to vector<16xi32>
          %add3A_200 = arith.addi %mul3A_197, %add3A_199 : vector<16xi32>
          %gather3A_201 = tpu.vector_load_idx %arg9[%add3A_200] : memref<512xf32, #tpu.memory_space<vmem>>[vector<16xi32>], vector<16xf32>,
          %min3A_202 = arith.minimumf %min3A_186, %gather3A_201 : vector<16xf32>
          %mul3A_203 = arith.constant 16 : i32
          %mul3A_204 = vector.broadcast %mul3A_203 : i32 to vector<16xi32>
          %mul3A_205 = arith.muli %iota3A, %mul3A_204 : vector<16xi32>
          %add3A_206 = arith.constant 6 : i32
          %add3A_207 = vector.broadcast %add3A_206 : i32 to vector<16xi32>
          %add3A_208 = arith.addi %mul3A_205, %add3A_207 : vector<16xi32>
          %gather3A_209 = tpu.vector_load_idx %arg9[%add3A_208] : memref<512xf32, #tpu.memory_space<vmem>>[vector<16xi32>], vector<16xf32>,
          %min3A_210 = arith.minimumf %min3A_194, %gather3A_209 : vector<16xf32>
          %mul3A_211 = arith.constant 16 : i32
          %mul3A_212 = vector.broadcast %mul3A_211 : i32 to vector<16xi32>
          %mul3A_213 = arith.muli %iota3A, %mul3A_212 : vector<16xi32>
          %add3A_214 = arith.constant 262 : i32
          %add3A_215 = vector.broadcast %add3A_214 : i32 to vector<16xi32>
          %add3A_216 = arith.addi %mul3A_213, %add3A_215 : vector<16xi32>
          %gather3A_217 = tpu.vector_load_idx %arg9[%add3A_216] : memref<512xf32, #tpu.memory_space<vmem>>[vector<16xi32>], vector<16xf32>,
          %min3A_218 = arith.minimumf %min3A_202, %gather3A_217 : vector<16xf32>
          %mul3A_219 = arith.constant 16 : i32
          %mul3A_220 = vector.broadcast %mul3A_219 : i32 to vector<16xi32>
          %mul3A_221 = arith.muli %iota3A, %mul3A_220 : vector<16xi32>
          %add3A_222 = arith.constant 7 : i32
          %add3A_223 = vector.broadcast %add3A_222 : i32 to vector<16xi32>
          %add3A_224 = arith.addi %mul3A_221, %add3A_223 : vector<16xi32>
          %gather3A_225 = tpu.vector_load_idx %arg9[%add3A_224] : memref<512xf32, #tpu.memory_space<vmem>>[vector<16xi32>], vector<16xf32>,
          %min3A_226 = arith.minimumf %min3A_210, %gather3A_225 : vector<16xf32>
          %mul3A_227 = arith.constant 16 : i32
          %mul3A_228 = vector.broadcast %mul3A_227 : i32 to vector<16xi32>
          %mul3A_229 = arith.muli %iota3A, %mul3A_228 : vector<16xi32>
          %add3A_230 = arith.constant 263 : i32
          %add3A_231 = vector.broadcast %add3A_230 : i32 to vector<16xi32>
          %add3A_232 = arith.addi %mul3A_229, %add3A_231 : vector<16xi32>
          %gather3A_233 = tpu.vector_load_idx %arg9[%add3A_232] : memref<512xf32, #tpu.memory_space<vmem>>[vector<16xi32>], vector<16xf32>,
          %min3A_234 = arith.minimumf %min3A_218, %gather3A_233 : vector<16xf32>
          %mul3A_235 = arith.constant 16 : i32
          %mul3A_236 = vector.broadcast %mul3A_235 : i32 to vector<16xi32>
          %mul3A_237 = arith.muli %iota3A, %mul3A_236 : vector<16xi32>
          %add3A_238 = arith.constant 8 : i32
          %add3A_239 = vector.broadcast %add3A_238 : i32 to vector<16xi32>
          %add3A_240 = arith.addi %mul3A_237, %add3A_239 : vector<16xi32>
          %gather3A_241 = tpu.vector_load_idx %arg9[%add3A_240] : memref<512xf32, #tpu.memory_space<vmem>>[vector<16xi32>], vector<16xf32>,
          %min3A_242 = arith.minimumf %min3A_226, %gather3A_241 : vector<16xf32>
          %mul3A_243 = arith.constant 16 : i32
          %mul3A_244 = vector.broadcast %mul3A_243 : i32 to vector<16xi32>
          %mul3A_245 = arith.muli %iota3A, %mul3A_244 : vector<16xi32>
          %add3A_246 = arith.constant 264 : i32
          %add3A_247 = vector.broadcast %add3A_246 : i32 to vector<16xi32>
          %add3A_248 = arith.addi %mul3A_245, %add3A_247 : vector<16xi32>
          %gather3A_249 = tpu.vector_load_idx %arg9[%add3A_248] : memref<512xf32, #tpu.memory_space<vmem>>[vector<16xi32>], vector<16xf32>,
          %min3A_250 = arith.minimumf %min3A_234, %gather3A_249 : vector<16xf32>
          %mul3A_251 = arith.constant 16 : i32
          %mul3A_252 = vector.broadcast %mul3A_251 : i32 to vector<16xi32>
          %mul3A_253 = arith.muli %iota3A, %mul3A_252 : vector<16xi32>
          %add3A_254 = arith.constant 9 : i32
          %add3A_255 = vector.broadcast %add3A_254 : i32 to vector<16xi32>
          %add3A_256 = arith.addi %mul3A_253, %add3A_255 : vector<16xi32>
          %gather3A_257 = tpu.vector_load_idx %arg9[%add3A_256] : memref<512xf32, #tpu.memory_space<vmem>>[vector<16xi32>], vector<16xf32>,
          %min3A_258 = arith.minimumf %min3A_242, %gather3A_257 : vector<16xf32>
          %mul3A_259 = arith.constant 16 : i32
          %mul3A_260 = vector.broadcast %mul3A_259 : i32 to vector<16xi32>
          %mul3A_261 = arith.muli %iota3A, %mul3A_260 : vector<16xi32>
          %add3A_262 = arith.constant 265 : i32
          %add3A_263 = vector.broadcast %add3A_262 : i32 to vector<16xi32>
          %add3A_264 = arith.addi %mul3A_261, %add3A_263 : vector<16xi32>
          %gather3A_265 = tpu.vector_load_idx %arg9[%add3A_264] : memref<512xf32, #tpu.memory_space<vmem>>[vector<16xi32>], vector<16xf32>,
          %min3A_266 = arith.minimumf %min3A_250, %gather3A_265 : vector<16xf32>
          %mul3A_267 = arith.constant 16 : i32
          %mul3A_268 = vector.broadcast %mul3A_267 : i32 to vector<16xi32>
          %mul3A_269 = arith.muli %iota3A, %mul3A_268 : vector<16xi32>
          %add3A_270 = arith.constant 10 : i32
          %add3A_271 = vector.broadcast %add3A_270 : i32 to vector<16xi32>
          %add3A_272 = arith.addi %mul3A_269, %add3A_271 : vector<16xi32>
          %gather3A_273 = tpu.vector_load_idx %arg9[%add3A_272] : memref<512xf32, #tpu.memory_space<vmem>>[vector<16xi32>], vector<16xf32>,
          %min3A_274 = arith.minimumf %min3A_258, %gather3A_273 : vector<16xf32>
          %mul3A_275 = arith.constant 16 : i32
          %mul3A_276 = vector.broadcast %mul3A_275 : i32 to vector<16xi32>
          %mul3A_277 = arith.muli %iota3A, %mul3A_276 : vector<16xi32>
          %add3A_278 = arith.constant 266 : i32
          %add3A_279 = vector.broadcast %add3A_278 : i32 to vector<16xi32>
          %add3A_280 = arith.addi %mul3A_277, %add3A_279 : vector<16xi32>
          %gather3A_281 = tpu.vector_load_idx %arg9[%add3A_280] : memref<512xf32, #tpu.memory_space<vmem>>[vector<16xi32>], vector<16xf32>,
          %min3A_282 = arith.minimumf %min3A_266, %gather3A_281 : vector<16xf32>
          %mul3A_283 = arith.constant 16 : i32
          %mul3A_284 = vector.broadcast %mul3A_283 : i32 to vector<16xi32>
          %mul3A_285 = arith.muli %iota3A, %mul3A_284 : vector<16xi32>
          %add3A_286 = arith.constant 11 : i32
          %add3A_287 = vector.broadcast %add3A_286 : i32 to vector<16xi32>
          %add3A_288 = arith.addi %mul3A_285, %add3A_287 : vector<16xi32>
          %gather3A_289 = tpu.vector_load_idx %arg9[%add3A_288] : memref<512xf32, #tpu.memory_space<vmem>>[vector<16xi32>], vector<16xf32>,
          %min3A_290 = arith.minimumf %min3A_274, %gather3A_289 : vector<16xf32>
          %mul3A_291 = arith.constant 16 : i32
          %mul3A_292 = vector.broadcast %mul3A_291 : i32 to vector<16xi32>
          %mul3A_293 = arith.muli %iota3A, %mul3A_292 : vector<16xi32>
          %add3A_294 = arith.constant 267 : i32
          %add3A_295 = vector.broadcast %add3A_294 : i32 to vector<16xi32>
          %add3A_296 = arith.addi %mul3A_293, %add3A_295 : vector<16xi32>
          %gather3A_297 = tpu.vector_load_idx %arg9[%add3A_296] : memref<512xf32, #tpu.memory_space<vmem>>[vector<16xi32>], vector<16xf32>,
          %min3A_298 = arith.minimumf %min3A_282, %gather3A_297 : vector<16xf32>
          %mul3A_299 = arith.constant 16 : i32
          %mul3A_300 = vector.broadcast %mul3A_299 : i32 to vector<16xi32>
          %mul3A_301 = arith.muli %iota3A, %mul3A_300 : vector<16xi32>
          %add3A_302 = arith.constant 12 : i32
          %add3A_303 = vector.broadcast %add3A_302 : i32 to vector<16xi32>
          %add3A_304 = arith.addi %mul3A_301, %add3A_303 : vector<16xi32>
          %gather3A_305 = tpu.vector_load_idx %arg9[%add3A_304] : memref<512xf32, #tpu.memory_space<vmem>>[vector<16xi32>], vector<16xf32>,
          %min3A_306 = arith.minimumf %min3A_290, %gather3A_305 : vector<16xf32>
          %mul3A_307 = arith.constant 16 : i32
          %mul3A_308 = vector.broadcast %mul3A_307 : i32 to vector<16xi32>
          %mul3A_309 = arith.muli %iota3A, %mul3A_308 : vector<16xi32>
          %add3A_310 = arith.constant 268 : i32
          %add3A_311 = vector.broadcast %add3A_310 : i32 to vector<16xi32>
          %add3A_312 = arith.addi %mul3A_309, %add3A_311 : vector<16xi32>
          %gather3A_313 = tpu.vector_load_idx %arg9[%add3A_312] : memref<512xf32, #tpu.memory_space<vmem>>[vector<16xi32>], vector<16xf32>,
          %min3A_314 = arith.minimumf %min3A_298, %gather3A_313 : vector<16xf32>
          %mul3A_315 = arith.constant 16 : i32
          %mul3A_316 = vector.broadcast %mul3A_315 : i32 to vector<16xi32>
          %mul3A_317 = arith.muli %iota3A, %mul3A_316 : vector<16xi32>
          %add3A_318 = arith.constant 13 : i32
          %add3A_319 = vector.broadcast %add3A_318 : i32 to vector<16xi32>
          %add3A_320 = arith.addi %mul3A_317, %add3A_319 : vector<16xi32>
          %gather3A_321 = tpu.vector_load_idx %arg9[%add3A_320] : memref<512xf32, #tpu.memory_space<vmem>>[vector<16xi32>], vector<16xf32>,
          %min3A_322 = arith.minimumf %min3A_306, %gather3A_321 : vector<16xf32>
          %mul3A_323 = arith.constant 16 : i32
          %mul3A_324 = vector.broadcast %mul3A_323 : i32 to vector<16xi32>
          %mul3A_325 = arith.muli %iota3A, %mul3A_324 : vector<16xi32>
          %add3A_326 = arith.constant 269 : i32
          %add3A_327 = vector.broadcast %add3A_326 : i32 to vector<16xi32>
          %add3A_328 = arith.addi %mul3A_325, %add3A_327 : vector<16xi32>
          %gather3A_329 = tpu.vector_load_idx %arg9[%add3A_328] : memref<512xf32, #tpu.memory_space<vmem>>[vector<16xi32>], vector<16xf32>,
          %min3A_330 = arith.minimumf %min3A_314, %gather3A_329 : vector<16xf32>
          %mul3A_331 = arith.constant 16 : i32
          %mul3A_332 = vector.broadcast %mul3A_331 : i32 to vector<16xi32>
          %mul3A_333 = arith.muli %iota3A, %mul3A_332 : vector<16xi32>
          %add3A_334 = arith.constant 14 : i32
          %add3A_335 = vector.broadcast %add3A_334 : i32 to vector<16xi32>
          %add3A_336 = arith.addi %mul3A_333, %add3A_335 : vector<16xi32>
          %gather3A_337 = tpu.vector_load_idx %arg9[%add3A_336] : memref<512xf32, #tpu.memory_space<vmem>>[vector<16xi32>], vector<16xf32>,
          %min3A_338 = arith.minimumf %min3A_322, %gather3A_337 : vector<16xf32>
          %mul3A_339 = arith.constant 16 : i32
          %mul3A_340 = vector.broadcast %mul3A_339 : i32 to vector<16xi32>
          %mul3A_341 = arith.muli %iota3A, %mul3A_340 : vector<16xi32>
          %add3A_342 = arith.constant 270 : i32
          %add3A_343 = vector.broadcast %add3A_342 : i32 to vector<16xi32>
          %add3A_344 = arith.addi %mul3A_341, %add3A_343 : vector<16xi32>
          %gather3A_345 = tpu.vector_load_idx %arg9[%add3A_344] : memref<512xf32, #tpu.memory_space<vmem>>[vector<16xi32>], vector<16xf32>,
          %min3A_346 = arith.minimumf %min3A_330, %gather3A_345 : vector<16xf32>
          %mul3A_347 = arith.constant 16 : i32
          %mul3A_348 = vector.broadcast %mul3A_347 : i32 to vector<16xi32>
          %mul3A_349 = arith.muli %iota3A, %mul3A_348 : vector<16xi32>
          %add3A_350 = arith.constant 15 : i32
          %add3A_351 = vector.broadcast %add3A_350 : i32 to vector<16xi32>
          %add3A_352 = arith.addi %mul3A_349, %add3A_351 : vector<16xi32>
          %gather3A_353 = tpu.vector_load_idx %arg9[%add3A_352] : memref<512xf32, #tpu.memory_space<vmem>>[vector<16xi32>], vector<16xf32>,
          %min3A_354 = arith.minimumf %min3A_338, %gather3A_353 : vector<16xf32>
          %mul3A_355 = arith.constant 16 : i32
          %mul3A_356 = vector.broadcast %mul3A_355 : i32 to vector<16xi32>
          %mul3A_357 = arith.muli %iota3A, %mul3A_356 : vector<16xi32>
          %add3A_358 = arith.constant 271 : i32
          %add3A_359 = vector.broadcast %add3A_358 : i32 to vector<16xi32>
          %add3A_360 = arith.addi %mul3A_357, %add3A_359 : vector<16xi32>
          %gather3A_361 = tpu.vector_load_idx %arg9[%add3A_360] : memref<512xf32, #tpu.memory_space<vmem>>[vector<16xi32>], vector<16xf32>,
          %min3A_362 = arith.minimumf %min3A_346, %gather3A_361 : vector<16xf32>
          %le3A = arith.cmpf ole, %min3A_354, %add3A_102 : vector<16xf32>
          %le3A_363 = arith.cmpf ole, %min3A_362, %add3A_102 : vector<16xf32>
          %swap3A = arith.constant 0 : index
          %swap3A_364 = tpu.vector_load %arg11[%swap3A] masked %le3A {strides = array<i32>} : memref<16xi32, #tpu.memory_space<vmem>>, vector<16xi32>, vector<16xi1>
          tpu.vector_store %arg11[%swap3A], %iota3A masked %le3A {strides = array<i32>} : memref<16xi32, #tpu.memory_space<vmem>>, vector<16xi32>, vector<16xi1>
          %add3A_365 = arith.constant 16 : i32
          %add3A_366 = vector.broadcast %add3A_365 : i32 to vector<16xi32>
          %add3A_367 = arith.addi %iota3A, %add3A_366 : vector<16xi32>
          %swap3A_368 = arith.constant 0 : index
          %swap3A_369 = tpu.vector_load %arg12[%swap3A_368] masked %le3A_363 {strides = array<i32>} : memref<16xi32, #tpu.memory_space<vmem>>, vector<16xi32>, vector<16xi1>
          tpu.vector_store %arg12[%swap3A_368], %add3A_367 masked %le3A_363 {strides = array<i32>} : memref<16xi32, #tpu.memory_space<vmem>>, vector<16xi32>, vector<16xi1>
          %all_reduce_population_count3A = tpu.all_reduce %le3A {dim = 0 : i64, kind = #tpu.reduction_kind<sum>} : vector<16xi1> -> vector<16xi32>
          %all_reduce_population_count3A_370 = tpu.all_reduce %le3A_363 {dim = 0 : i64, kind = #tpu.reduction_kind<sum>} : vector<16xi1> -> vector<16xi32>
          %broadcast_in_dim3A_371 = arith.constant 1.000000e+30 : f32
          %broadcast_in_dim3A_372 = vector.broadcast %broadcast_in_dim3A_371 : f32 to vector<16xf32>
          %while3A:2 = scf.while (%while3A_379 = %broadcast_in_dim3A_1, %while3A_380 = %broadcast_in_dim3A_372) : (vector<16xi32>, vector<16xf32>) -> (vector<16xi32>, vector<16xf32>) {
            %lt3A = arith.cmpi slt, %while3A_379, %all_reduce_population_count3A : vector<16xi32>
            %reduce_and3A = arith.constant 1.000000e+00 : f32
            %reduce_and3A_381 = arith.constant 0.000000e+00 : f32
            %reduce_and3A_382 = vector.broadcast %reduce_and3A : f32 to vector<16xf32>
            %reduce_and3A_383 = vector.broadcast %reduce_and3A_381 : f32 to vector<16xf32>
            %reduce_and3A_384 = arith.select %lt3A, %reduce_and3A_382, %reduce_and3A_383 : vector<16xi1>, vector<16xf32>
            %reduce_and3A_385 = arith.constant true
            %reduce_and3A_386 = vector.broadcast %reduce_and3A_385 : i1 to vector<16xi1>
            %reduce_and3A_387 = tpu.scan <min>, %reduce_and3A_384 masked %reduce_and3A_386 : vector<16xf32>, vector<16xi1> -> vector<16xf32>
            %reduce_and3A_388 = vector.extract %reduce_and3A_387[15] : f32 from vector<16xf32>
            %reduce_and3A_389 = arith.constant 0.000000e+00 : f32
            %reduce_and3A_390 = arith.cmpf ogt, %reduce_and3A_388, %reduce_and3A_389 : f32
            scf.condition(%reduce_and3A_390) %while3A_379, %while3A_380 : vector<16xi32>, vector<16xf32>
          } do {
          ^bb0(%while3A_379: vector<16xi32>, %while3A_380: vector<16xf32>):
            %gather3A_381 = tpu.vector_load_idx %arg11[%while3A_379] : memref<16xi32, #tpu.memory_space<vmem>>[vector<16xi32>], vector<16xi32>,
            %mul3A_382 = arith.constant 16 : i32
            %mul3A_383 = vector.broadcast %mul3A_382 : i32 to vector<16xi32>
            %mul3A_384 = arith.muli %gather3A_381, %mul3A_383 : vector<16xi32>
            %add3A_385 = arith.addi %mul3A_384, %iota3A : vector<16xi32>
            %gather3A_386 = tpu.vector_load_idx %arg9[%add3A_385] : memref<512xf32, #tpu.memory_space<vmem>>[vector<16xi32>], vector<16xf32>,
            %le3A_387 = arith.cmpf ole, %gather3A_386, %add3A_102 : vector<16xf32>
            %while3A_388:2 = scf.while (%while3A_392 = %le3A_387, %while3A_393 = %while3A_380) : (vector<16xi1>, vector<16xf32>) -> (vector<16xi1>, vector<16xf32>) {
              %reduce_or3A = arith.constant 1.000000e+00 : f32
              %reduce_or3A_394 = arith.constant 0.000000e+00 : f32
              %reduce_or3A_395 = vector.broadcast %reduce_or3A : f32 to vector<16xf32>
              %reduce_or3A_396 = vector.broadcast %reduce_or3A_394 : f32 to vector<16xf32>
              %reduce_or3A_397 = arith.select %while3A_392, %reduce_or3A_395, %reduce_or3A_396 : vector<16xi1>, vector<16xf32>
              %reduce_or3A_398 = arith.constant true
              %reduce_or3A_399 = vector.broadcast %reduce_or3A_398 : i1 to vector<16xi1>
              %reduce_or3A_400 = tpu.scan <max>, %reduce_or3A_397 masked %reduce_or3A_399 : vector<16xf32>, vector<16xi1> -> vector<16xf32>
              %reduce_or3A_401 = vector.extract %reduce_or3A_400[15] : f32 from vector<16xf32>
              %reduce_or3A_402 = arith.constant 0.000000e+00 : f32
              %reduce_or3A_403 = arith.cmpf ogt, %reduce_or3A_401, %reduce_or3A_402 : f32
              scf.condition(%reduce_or3A_403) %while3A_392, %while3A_393 : vector<16xi1>, vector<16xf32>
            } do {
            ^bb0(%while3A_392: vector<16xi1>, %while3A_393: vector<16xf32>):
              %all_reduce_ffs3A = tpu.all_reduce %while3A_392 {dim = 0 : i64, kind = #tpu.reduction_kind<find_first_set>} : vector<16xi1> -> vector<16xi32>
              %mul3A_394 = arith.constant 16 : i32
              %mul3A_395 = vector.broadcast %mul3A_394 : i32 to vector<16xi32>
              %mul3A_396 = arith.muli %gather3A_381, %mul3A_395 : vector<16xi32>
              %add3A_397 = arith.addi %mul3A_396, %all_reduce_ffs3A : vector<16xi32>
              %add3A_398 = vector.broadcast %add3A_61 : i32 to vector<16xi32>
              %add3A_399 = arith.addi %broadcast_in_dim3A_1, %add3A_398 : vector<16xi32>
              %gather3A_400 = tpu.vector_load_idx %arg5[%add3A_399, %add3A_397] : memref<128x512xf32, #tpu.memory_space<vmem>>[vector<16xi32>, vector<16xi32>], vector<16xf32>,
              %add3A_401 = vector.broadcast %scan3A_57 : i32 to vector<16xi32>
              %add3A_402 = arith.addi %broadcast_in_dim3A_1, %add3A_401 : vector<16xi32>
              %gather3A_403 = tpu.vector_load_idx %arg6[%add3A_402, %add3A_397] : memref<64x512xf32, #tpu.memory_space<vmem>>[vector<16xi32>, vector<16xi32>], vector<16xf32>,
              %broadcast_in_dim3A_404 = arith.constant 0.000000e+00 : f32
              %broadcast_in_dim3A_405 = vector.broadcast %broadcast_in_dim3A_404 : f32 to vector<16xf32>
              %scan3A_406 = arith.constant 0 : i32
              %scan3A_407 = arith.constant 16 : i32
              %scan3A_408 = arith.addi %scan3A_406, %scan3A_407 : i32
              %scan3A_409 = arith.constant 1 : i32
              %scan3A_410 = scf.for %scan3A_456 = %scan3A_406 to %scan3A_408 step %scan3A_409 iter_args(%scan3A_457 = %broadcast_in_dim3A_405) -> (vector<16xf32>)  : i32 {
                %mul3A_458 = arith.constant 32 : i32
                %mul3A_459 = arith.muli %scan3A_456, %mul3A_458 : i32
                %get3A = arith.index_cast %add3A_61 : i32 to index
                %get3A_460 = arith.index_cast %mul3A_459 : i32 to index
                %get3A_461 = tpu.vector_load %arg5[%get3A, %get3A_460] {strides = array<i32>} : memref<128x512xf32, #tpu.memory_space<vmem>>, vector<16xf32>,
                %mul3A_462 = arith.constant 32 : i32
                %mul3A_463 = arith.muli %scan3A_456, %mul3A_462 : i32
                %add3A_464 = arith.constant 16 : i32
                %add3A_465 = arith.addi %mul3A_463, %add3A_464 : i32
                %get3A_466 = arith.index_cast %add3A_61 : i32 to index
                %get3A_467 = arith.index_cast %add3A_465 : i32 to index
                %get3A_468 = tpu.vector_load %arg5[%get3A_466, %get3A_467] {strides = array<i32>} : memref<128x512xf32, #tpu.memory_space<vmem>>, vector<16xf32>,
                %gt3A = arith.cmpf ogt, %get3A_461, %gather3A_400 : vector<16xf32>
                %jit3A = arith.constant 1.000000e+00 : f32
                %jit3A_469 = arith.constant 0.000000e+00 : f32
                %broadcast_in_dim3A_470 = vector.broadcast %jit3A : f32 to vector<16xf32>
                %broadcast_in_dim3A_471 = vector.broadcast %jit3A_469 : f32 to vector<16xf32>
                %select_n3A = arith.select %gt3A, %broadcast_in_dim3A_470, %broadcast_in_dim3A_471 : vector<16xi1>, vector<16xf32>
                %add3A_472 = arith.addf %scan3A_457, %select_n3A : vector<16xf32>
                %gt3A_473 = arith.cmpf ogt, %get3A_468, %gather3A_400 : vector<16xf32>
                %jit3A_474 = arith.constant 1.000000e+00 : f32
                %jit3A_475 = arith.constant 0.000000e+00 : f32
                %broadcast_in_dim3A_476 = vector.broadcast %jit3A_474 : f32 to vector<16xf32>
                %broadcast_in_dim3A_477 = vector.broadcast %jit3A_475 : f32 to vector<16xf32>
                %select_n3A_478 = arith.select %gt3A_473, %broadcast_in_dim3A_476, %broadcast_in_dim3A_477 : vector<16xi1>, vector<16xf32>
                %add3A_479 = arith.addf %add3A_472, %select_n3A_478 : vector<16xf32>
                scf.yield %add3A_479 : vector<16xf32>
              }
              %scan3A_411 = arith.constant 16 : i32
              %xor3A_412 = arith.constant 8 : i32
              %xor3A_413 = vector.broadcast %xor3A_412 : i32 to vector<16xi32>
              %xor3A_414 = arith.xori %iota3A, %xor3A_413 : vector<16xi32>
              %reshape3A_415 = vector.shape_cast %xor3A_414 : vector<16xi32> to vector<16x1xi32>
              %gather3A_416 = vector.shape_cast %reshape3A_415 : vector<16x1xi32> to vector<16xi32>
              %gather3A_417 = tpu.dynamic_gather %scan3A_410[%gather3A_416] in [0] : vector<16xf32>, vector<16xi32> -> vector<16xf32>
              %add3A_418 = arith.addf %scan3A_410, %gather3A_417 : vector<16xf32>
              %xor3A_419 = arith.constant 4 : i32
              %xor3A_420 = vector.broadcast %xor3A_419 : i32 to vector<16xi32>
              %xor3A_421 = arith.xori %iota3A, %xor3A_420 : vector<16xi32>
              %reshape3A_422 = vector.shape_cast %xor3A_421 : vector<16xi32> to vector<16x1xi32>
              %gather3A_423 = vector.shape_cast %reshape3A_422 : vector<16x1xi32> to vector<16xi32>
              %gather3A_424 = tpu.dynamic_gather %add3A_418[%gather3A_423] in [0] : vector<16xf32>, vector<16xi32> -> vector<16xf32>
              %add3A_425 = arith.addf %add3A_418, %gather3A_424 : vector<16xf32>
              %xor3A_426 = arith.constant 2 : i32
              %xor3A_427 = vector.broadcast %xor3A_426 : i32 to vector<16xi32>
              %xor3A_428 = arith.xori %iota3A, %xor3A_427 : vector<16xi32>
              %reshape3A_429 = vector.shape_cast %xor3A_428 : vector<16xi32> to vector<16x1xi32>
              %gather3A_430 = vector.shape_cast %reshape3A_429 : vector<16x1xi32> to vector<16xi32>
              %gather3A_431 = tpu.dynamic_gather %add3A_425[%gather3A_430] in [0] : vector<16xf32>, vector<16xi32> -> vector<16xf32>
              %add3A_432 = arith.addf %add3A_425, %gather3A_431 : vector<16xf32>
              %xor3A_433 = arith.constant 1 : i32
              %xor3A_434 = vector.broadcast %xor3A_433 : i32 to vector<16xi32>
              %xor3A_435 = arith.xori %iota3A, %xor3A_434 : vector<16xi32>
              %reshape3A_436 = vector.shape_cast %xor3A_435 : vector<16xi32> to vector<16x1xi32>
              %gather3A_437 = vector.shape_cast %reshape3A_436 : vector<16x1xi32> to vector<16xi32>
              %gather3A_438 = tpu.dynamic_gather %add3A_432[%gather3A_437] in [0] : vector<16xf32>, vector<16xi32> -> vector<16xf32>
              %add3A_439 = arith.addf %add3A_432, %gather3A_438 : vector<16xf32>
              %convert_element_type3A = arith.sitofp %add3A_397 : vector<16xi32> to vector<16xf32>
              %add3A_440 = arith.constant 1.000000e+00 : f32
              %add3A_441 = vector.broadcast %add3A_440 : f32 to vector<16xf32>
              %add3A_442 = arith.addf %convert_element_type3A, %add3A_441 : vector<16xf32>
              %mul3A_443 = arith.mulf %gather3A_403, %add3A_442 : vector<16xf32>
              %sub3A = arith.constant 1.000000e+00 : f32
              %sub3A_444 = vector.broadcast %sub3A : f32 to vector<16xf32>
              %sub3A_445 = arith.subf %sub3A_444, %gather3A_403 : vector<16xf32>
              %mul3A_446 = arith.constant 0.00999999977 : f32
              %mul3A_447 = vector.broadcast %mul3A_446 : f32 to vector<16xf32>
              %mul3A_448 = arith.mulf %mul3A_447, %add3A_439 : vector<16xf32>
              %add3A_449 = arith.addf %gather3A, %mul3A_448 : vector<16xf32>
              %add3A_450 = arith.constant 5.120000e+02 : f32
              %add3A_451 = vector.broadcast %add3A_450 : f32 to vector<16xf32>
              %add3A_452 = arith.addf %add3A_451, %add3A_449 : vector<16xf32>
              %mul3A_453 = arith.mulf %sub3A_445, %add3A_452 : vector<16xf32>
              %add3A_454 = arith.addf %mul3A_443, %mul3A_453 : vector<16xf32>
              %min3A_455 = arith.minimumf %while3A_393, %add3A_454 : vector<16xf32>
              %ne3A = arith.cmpi ne, %iota3A, %all_reduce_ffs3A : vector<16xi32>
              %and3A = arith.andi %while3A_392, %ne3A : vector<16xi1>
              scf.yield %and3A, %min3A_455 : vector<16xi1>, vector<16xf32>
            }
            %add3A_389 = arith.constant 1 : i32
            %add3A_390 = vector.broadcast %add3A_389 : i32 to vector<16xi32>
            %add3A_391 = arith.addi %while3A_379, %add3A_390 : vector<16xi32>
            scf.yield %add3A_391, %while3A_388#1 : vector<16xi32>, vector<16xf32>
          }
          %while3A_373:2 = scf.while (%while3A_379 = %broadcast_in_dim3A_1, %while3A_380 = %while3A#1) : (vector<16xi32>, vector<16xf32>) -> (vector<16xi32>, vector<16xf32>) {
            %lt3A = arith.cmpi slt, %while3A_379, %all_reduce_population_count3A_370 : vector<16xi32>
            %reduce_and3A = arith.constant 1.000000e+00 : f32
            %reduce_and3A_381 = arith.constant 0.000000e+00 : f32
            %reduce_and3A_382 = vector.broadcast %reduce_and3A : f32 to vector<16xf32>
            %reduce_and3A_383 = vector.broadcast %reduce_and3A_381 : f32 to vector<16xf32>
            %reduce_and3A_384 = arith.select %lt3A, %reduce_and3A_382, %reduce_and3A_383 : vector<16xi1>, vector<16xf32>
            %reduce_and3A_385 = arith.constant true
            %reduce_and3A_386 = vector.broadcast %reduce_and3A_385 : i1 to vector<16xi1>
            %reduce_and3A_387 = tpu.scan <min>, %reduce_and3A_384 masked %reduce_and3A_386 : vector<16xf32>, vector<16xi1> -> vector<16xf32>
            %reduce_and3A_388 = vector.extract %reduce_and3A_387[15] : f32 from vector<16xf32>
            %reduce_and3A_389 = arith.constant 0.000000e+00 : f32
            %reduce_and3A_390 = arith.cmpf ogt, %reduce_and3A_388, %reduce_and3A_389 : f32
            scf.condition(%reduce_and3A_390) %while3A_379, %while3A_380 : vector<16xi32>, vector<16xf32>
          } do {
          ^bb0(%while3A_379: vector<16xi32>, %while3A_380: vector<16xf32>):
            %gather3A_381 = tpu.vector_load_idx %arg12[%while3A_379] : memref<16xi32, #tpu.memory_space<vmem>>[vector<16xi32>], vector<16xi32>,
            %mul3A_382 = arith.constant 16 : i32
            %mul3A_383 = vector.broadcast %mul3A_382 : i32 to vector<16xi32>
            %mul3A_384 = arith.muli %gather3A_381, %mul3A_383 : vector<16xi32>
            %add3A_385 = arith.addi %mul3A_384, %iota3A : vector<16xi32>
            %gather3A_386 = tpu.vector_load_idx %arg9[%add3A_385] : memref<512xf32, #tpu.memory_space<vmem>>[vector<16xi32>], vector<16xf32>,
            %le3A_387 = arith.cmpf ole, %gather3A_386, %add3A_102 : vector<16xf32>
            %while3A_388:2 = scf.while (%while3A_392 = %le3A_387, %while3A_393 = %while3A_380) : (vector<16xi1>, vector<16xf32>) -> (vector<16xi1>, vector<16xf32>) {
              %reduce_or3A = arith.constant 1.000000e+00 : f32
              %reduce_or3A_394 = arith.constant 0.000000e+00 : f32
              %reduce_or3A_395 = vector.broadcast %reduce_or3A : f32 to vector<16xf32>
              %reduce_or3A_396 = vector.broadcast %reduce_or3A_394 : f32 to vector<16xf32>
              %reduce_or3A_397 = arith.select %while3A_392, %reduce_or3A_395, %reduce_or3A_396 : vector<16xi1>, vector<16xf32>
              %reduce_or3A_398 = arith.constant true
              %reduce_or3A_399 = vector.broadcast %reduce_or3A_398 : i1 to vector<16xi1>
              %reduce_or3A_400 = tpu.scan <max>, %reduce_or3A_397 masked %reduce_or3A_399 : vector<16xf32>, vector<16xi1> -> vector<16xf32>
              %reduce_or3A_401 = vector.extract %reduce_or3A_400[15] : f32 from vector<16xf32>
              %reduce_or3A_402 = arith.constant 0.000000e+00 : f32
              %reduce_or3A_403 = arith.cmpf ogt, %reduce_or3A_401, %reduce_or3A_402 : f32
              scf.condition(%reduce_or3A_403) %while3A_392, %while3A_393 : vector<16xi1>, vector<16xf32>
            } do {
            ^bb0(%while3A_392: vector<16xi1>, %while3A_393: vector<16xf32>):
              %all_reduce_ffs3A = tpu.all_reduce %while3A_392 {dim = 0 : i64, kind = #tpu.reduction_kind<find_first_set>} : vector<16xi1> -> vector<16xi32>
              %mul3A_394 = arith.constant 16 : i32
              %mul3A_395 = vector.broadcast %mul3A_394 : i32 to vector<16xi32>
              %mul3A_396 = arith.muli %gather3A_381, %mul3A_395 : vector<16xi32>
              %add3A_397 = arith.addi %mul3A_396, %all_reduce_ffs3A : vector<16xi32>
              %add3A_398 = vector.broadcast %add3A_61 : i32 to vector<16xi32>
              %add3A_399 = arith.addi %broadcast_in_dim3A_1, %add3A_398 : vector<16xi32>
              %gather3A_400 = tpu.vector_load_idx %arg5[%add3A_399, %add3A_397] : memref<128x512xf32, #tpu.memory_space<vmem>>[vector<16xi32>, vector<16xi32>], vector<16xf32>,
              %add3A_401 = vector.broadcast %scan3A_57 : i32 to vector<16xi32>
              %add3A_402 = arith.addi %broadcast_in_dim3A_1, %add3A_401 : vector<16xi32>
              %gather3A_403 = tpu.vector_load_idx %arg6[%add3A_402, %add3A_397] : memref<64x512xf32, #tpu.memory_space<vmem>>[vector<16xi32>, vector<16xi32>], vector<16xf32>,
              %broadcast_in_dim3A_404 = arith.constant 0.000000e+00 : f32
              %broadcast_in_dim3A_405 = vector.broadcast %broadcast_in_dim3A_404 : f32 to vector<16xf32>
              %scan3A_406 = arith.constant 0 : i32
              %scan3A_407 = arith.constant 16 : i32
              %scan3A_408 = arith.addi %scan3A_406, %scan3A_407 : i32
              %scan3A_409 = arith.constant 1 : i32
              %scan3A_410 = scf.for %scan3A_456 = %scan3A_406 to %scan3A_408 step %scan3A_409 iter_args(%scan3A_457 = %broadcast_in_dim3A_405) -> (vector<16xf32>)  : i32 {
                %mul3A_458 = arith.constant 32 : i32
                %mul3A_459 = arith.muli %scan3A_456, %mul3A_458 : i32
                %get3A = arith.index_cast %add3A_61 : i32 to index
                %get3A_460 = arith.index_cast %mul3A_459 : i32 to index
                %get3A_461 = tpu.vector_load %arg5[%get3A, %get3A_460] {strides = array<i32>} : memref<128x512xf32, #tpu.memory_space<vmem>>, vector<16xf32>,
                %mul3A_462 = arith.constant 32 : i32
                %mul3A_463 = arith.muli %scan3A_456, %mul3A_462 : i32
                %add3A_464 = arith.constant 16 : i32
                %add3A_465 = arith.addi %mul3A_463, %add3A_464 : i32
                %get3A_466 = arith.index_cast %add3A_61 : i32 to index
                %get3A_467 = arith.index_cast %add3A_465 : i32 to index
                %get3A_468 = tpu.vector_load %arg5[%get3A_466, %get3A_467] {strides = array<i32>} : memref<128x512xf32, #tpu.memory_space<vmem>>, vector<16xf32>,
                %gt3A = arith.cmpf ogt, %get3A_461, %gather3A_400 : vector<16xf32>
                %jit3A = arith.constant 1.000000e+00 : f32
                %jit3A_469 = arith.constant 0.000000e+00 : f32
                %broadcast_in_dim3A_470 = vector.broadcast %jit3A : f32 to vector<16xf32>
                %broadcast_in_dim3A_471 = vector.broadcast %jit3A_469 : f32 to vector<16xf32>
                %select_n3A = arith.select %gt3A, %broadcast_in_dim3A_470, %broadcast_in_dim3A_471 : vector<16xi1>, vector<16xf32>
                %add3A_472 = arith.addf %scan3A_457, %select_n3A : vector<16xf32>
                %gt3A_473 = arith.cmpf ogt, %get3A_468, %gather3A_400 : vector<16xf32>
                %jit3A_474 = arith.constant 1.000000e+00 : f32
                %jit3A_475 = arith.constant 0.000000e+00 : f32
                %broadcast_in_dim3A_476 = vector.broadcast %jit3A_474 : f32 to vector<16xf32>
                %broadcast_in_dim3A_477 = vector.broadcast %jit3A_475 : f32 to vector<16xf32>
                %select_n3A_478 = arith.select %gt3A_473, %broadcast_in_dim3A_476, %broadcast_in_dim3A_477 : vector<16xi1>, vector<16xf32>
                %add3A_479 = arith.addf %add3A_472, %select_n3A_478 : vector<16xf32>
                scf.yield %add3A_479 : vector<16xf32>
              }
              %scan3A_411 = arith.constant 16 : i32
              %xor3A_412 = arith.constant 8 : i32
              %xor3A_413 = vector.broadcast %xor3A_412 : i32 to vector<16xi32>
              %xor3A_414 = arith.xori %iota3A, %xor3A_413 : vector<16xi32>
              %reshape3A_415 = vector.shape_cast %xor3A_414 : vector<16xi32> to vector<16x1xi32>
              %gather3A_416 = vector.shape_cast %reshape3A_415 : vector<16x1xi32> to vector<16xi32>
              %gather3A_417 = tpu.dynamic_gather %scan3A_410[%gather3A_416] in [0] : vector<16xf32>, vector<16xi32> -> vector<16xf32>
              %add3A_418 = arith.addf %scan3A_410, %gather3A_417 : vector<16xf32>
              %xor3A_419 = arith.constant 4 : i32
              %xor3A_420 = vector.broadcast %xor3A_419 : i32 to vector<16xi32>
              %xor3A_421 = arith.xori %iota3A, %xor3A_420 : vector<16xi32>
              %reshape3A_422 = vector.shape_cast %xor3A_421 : vector<16xi32> to vector<16x1xi32>
              %gather3A_423 = vector.shape_cast %reshape3A_422 : vector<16x1xi32> to vector<16xi32>
              %gather3A_424 = tpu.dynamic_gather %add3A_418[%gather3A_423] in [0] : vector<16xf32>, vector<16xi32> -> vector<16xf32>
              %add3A_425 = arith.addf %add3A_418, %gather3A_424 : vector<16xf32>
              %xor3A_426 = arith.constant 2 : i32
              %xor3A_427 = vector.broadcast %xor3A_426 : i32 to vector<16xi32>
              %xor3A_428 = arith.xori %iota3A, %xor3A_427 : vector<16xi32>
              %reshape3A_429 = vector.shape_cast %xor3A_428 : vector<16xi32> to vector<16x1xi32>
              %gather3A_430 = vector.shape_cast %reshape3A_429 : vector<16x1xi32> to vector<16xi32>
              %gather3A_431 = tpu.dynamic_gather %add3A_425[%gather3A_430] in [0] : vector<16xf32>, vector<16xi32> -> vector<16xf32>
              %add3A_432 = arith.addf %add3A_425, %gather3A_431 : vector<16xf32>
              %xor3A_433 = arith.constant 1 : i32
              %xor3A_434 = vector.broadcast %xor3A_433 : i32 to vector<16xi32>
              %xor3A_435 = arith.xori %iota3A, %xor3A_434 : vector<16xi32>
              %reshape3A_436 = vector.shape_cast %xor3A_435 : vector<16xi32> to vector<16x1xi32>
              %gather3A_437 = vector.shape_cast %reshape3A_436 : vector<16x1xi32> to vector<16xi32>
              %gather3A_438 = tpu.dynamic_gather %add3A_432[%gather3A_437] in [0] : vector<16xf32>, vector<16xi32> -> vector<16xf32>
              %add3A_439 = arith.addf %add3A_432, %gather3A_438 : vector<16xf32>
              %convert_element_type3A = arith.sitofp %add3A_397 : vector<16xi32> to vector<16xf32>
              %add3A_440 = arith.constant 1.000000e+00 : f32
              %add3A_441 = vector.broadcast %add3A_440 : f32 to vector<16xf32>
              %add3A_442 = arith.addf %convert_element_type3A, %add3A_441 : vector<16xf32>
              %mul3A_443 = arith.mulf %gather3A_403, %add3A_442 : vector<16xf32>
              %sub3A = arith.constant 1.000000e+00 : f32
              %sub3A_444 = vector.broadcast %sub3A : f32 to vector<16xf32>
              %sub3A_445 = arith.subf %sub3A_444, %gather3A_403 : vector<16xf32>
              %mul3A_446 = arith.constant 0.00999999977 : f32
              %mul3A_447 = vector.broadcast %mul3A_446 : f32 to vector<16xf32>
              %mul3A_448 = arith.mulf %mul3A_447, %add3A_439 : vector<16xf32>
              %add3A_449 = arith.addf %gather3A, %mul3A_448 : vector<16xf32>
              %add3A_450 = arith.constant 5.120000e+02 : f32
              %add3A_451 = vector.broadcast %add3A_450 : f32 to vector<16xf32>
              %add3A_452 = arith.addf %add3A_451, %add3A_449 : vector<16xf32>
              %mul3A_453 = arith.mulf %sub3A_445, %add3A_452 : vector<16xf32>
              %add3A_454 = arith.addf %mul3A_443, %mul3A_453 : vector<16xf32>
              %min3A_455 = arith.minimumf %while3A_393, %add3A_454 : vector<16xf32>
              %ne3A = arith.cmpi ne, %iota3A, %all_reduce_ffs3A : vector<16xi32>
              %and3A = arith.andi %while3A_392, %ne3A : vector<16xi1>
              scf.yield %and3A, %min3A_455 : vector<16xi1>, vector<16xf32>
            }
            %add3A_389 = arith.constant 1 : i32
            %add3A_390 = vector.broadcast %add3A_389 : i32 to vector<16xi32>
            %add3A_391 = arith.addi %while3A_379, %add3A_390 : vector<16xi32>
            scf.yield %add3A_391, %while3A_388#1 : vector<16xi32>, vector<16xf32>
          }
          %add3A_374 = vector.broadcast %add3A_61 : i32 to vector<16xi32>
          %add3A_375 = arith.addi %broadcast_in_dim3A_1, %add3A_374 : vector<16xi32>
          %eq3A = arith.constant 0 : i32
          %eq3A_376 = vector.broadcast %eq3A : i32 to vector<16xi32>
          %eq3A_377 = arith.cmpi eq, %iota3A, %eq3A_376 : vector<16xi32>
          tpu.vector_store_idx %arg13[%add3A_375], %while3A_373#1 masked %eq3A_377 : memref<128xf32, #tpu.memory_space<vmem>>[vector<16xi32>], vector<16xf32>, vector<16xi1>
          %scan3A_378 = arith.constant 0 : i32
          scf.yield %scan3A_378 : i32
        }
        %scan3A_55 = arith.constant 64 : i32
        %scan3A_56 = arith.constant 0 : i32
        scf.yield %scan3A_56 : i32
      }
      %scan3A_42 = arith.constant 2 : i32
      "tpu.region"() ({
        %run_scoped3A = tpu.sem_alloc : memref<!tpu.dma_semaphore, #tpu.memory_space<semaphore_mem>>
        %dma_start3A = tpu.memref_slice %arg4[%mul3A_21] : memref<32768xf32, #tpu.memory_space<hbm>> -> memref<128xf32, #tpu.memory_space<hbm>>
        %dma_start3A_44 = tpu.memref_slice %arg4[%mul3A_21] : memref<32768xf32, #tpu.memory_space<hbm>> -> memref<128xf32, #tpu.memory_space<hbm>>
        tpu.enqueue_dma source(%arg13 : memref<128xf32, #tpu.memory_space<vmem>>) target(%dma_start3A_44 : memref<128xf32, #tpu.memory_space<hbm>>) target_semaphore(%run_scoped3A : memref<!tpu.dma_semaphore, #tpu.memory_space<semaphore_mem>>)
        %dma_wait3A = tpu.memref_slice %arg4[%mul3A_21] : memref<32768xf32, #tpu.memory_space<hbm>> -> memref<128xf32, #tpu.memory_space<hbm>>
        %dma_wait3A_45 = tpu.memref_slice %arg4[%mul3A_21] : memref<32768xf32, #tpu.memory_space<hbm>> -> memref<128xf32, #tpu.memory_space<hbm>>
        tpu.wait_dma2 semaphore(%run_scoped3A : memref<!tpu.dma_semaphore, #tpu.memory_space<semaphore_mem>>) src(%arg13 : memref<128xf32, #tpu.memory_space<vmem>>) dst(%dma_wait3A_45 : memref<128xf32, #tpu.memory_space<hbm>>)
        tpu.yield
      }) : () -> ()
      %scan3A_43 = arith.constant 0 : i32
      scf.yield %scan3A_43 : i32
    }
    %scan3A_14 = arith.constant 8 : i32
    return
  }
}

</mosaic_0001>

<sc_bundles>
// kernel: kernel.3.cloned.1.call-start
scs
__scs_entry_jumppad:
0x0: {  	(pc) =	sbr.rel $0x88, $3  }
0x1: {  	(tag) =	ssettag $0x0;
	lr =	simm.s32 $0x1  }
0x2: {  	[smem:$0x3F9F] =	sst lr;
	_ =	strace $0xD0000000  }
0x3: {  	_ = 	snop  }
0x4: {  	_ = 	snop  }
0x5: {  	_ = 	snop  }
0x6: {  	_ = 	snop  }
0x7: {  	_ = 	snop  }
__scs_overlays_trampoline_lowered:
0x8: {  	[smem:$0x3FAE] =	sst s0  }
0x9: {  	[smem:$0x3FAF] =	sst s1  }
0xa: {  	[smem:$0x3FB0] =	sst s2  }
0xb: {  	[smem:$0x3FB1] =	sst s3  }
0xc: {  	[smem:$0x3FB2] =	sst s4  }
0xd: {  	[smem:$0x3FB3] =	sst s5  }
0xe: {  	[smem:$0x3FB4] =	sst s6  }
0xf: {  	[smem:$0x3FB5] =	sst s7  }
0x10: {  	[smem:$0x3FB6] =	sst s8  }
0x11: {  	[smem:$0x3FB7] =	sst s9;
	s0 =	simm.s32 @!p0 $0x0  }
0x12: {  	s1 =	sld [smem:$0x3F9D];
	s0 =	simm.s32 @p0 $0x1  }
0x13: {  	[smem:$0x3FB8] =	sst s0;
	s0 =	simm.s32 @!p1 $0x0  }
0x14: {  	s2 =	sld [smem:$0x3F9C];
	s0 =	simm.s32 @p1 $0x1  }
0x15: {  	[smem:$0x3FB9] =	sst s0;
	s0 =	simm.s32 @!p2 $0x0  }
0x16: {  	s3 =	sld [smem:$0x3FDB];
	s0 =	simm.s32 @p2 $0x1  }
0x17: {  	s4 =	simm.s32 $0x1BF5;
	[smem:$0x3FBB] =	sst s0  }
0x18: {  	s0 =	sld [smem:$0x3F9E];
	_ =	swait.ge [sflag:s4], $0x0  }
0x19: {  	s7 =	sld [smem:$0x3F9F]  }
0x1a: {  	s8 =	sadd.s32 $0xFFFFE003, lr  }
0x1b: {  	s9 =	sadd.s32 $0xFFFFFEF7, lr;
	s5 =	simm.s32 $0xFFFFFFFF;
	p2 =	slt.u32 s8, $0xFFFFF086  }
0x1c: {  	p1 =	slt.u32 s9, $0xF7A;
	s5 =	simm.s32 @!p2 $0x0  }
0x1d: {  	s5 =	simm.s32 @p1 $0x1;
	p0 =	seq.s32 s7, s2  }
0x1e: {  	s7 =	smul.u32 @!p0 $0xF7A, s2;
	p2 =	seq.s32 @!p0 s5, $0x0  }
0x1f: {  	s9 =	smul.u32 $0xF7A, s1;
	s8 =	simm.s32 @!p0 $0x1BF5;
	p2 =	por !p2, p0  }
0x20: {  	[sflag:s8] =	ssyncset.s32 @!p0 $0xFFFFF086;
	s6 =	sadd.s32 @!p0 s3, s7;
	s7 =	simm.s32 @!p0 $0x108  }
0x21: {  	s3 =	sadd.s32 s3, s9;
	s6 =	sadd.s32 @!p0 $0x88, s6;
	s7 =	simm.s32 @p2 $0x1082  }
0x22: {  	[simem:s7], [sflag:s8] =	dma.local @!p0 [hbm:s6], $0xF7A  }
0x23: {  	s9 =	sor.u32 $0xD0000000, s2;
	s6 =	simm.s32 $0x108;
	_ =	swait.ge @!p0 [sflag:s8], $0x0  }
0x24: {  	s3 =	sadd.s32 $0x88, s3;
	s6 =	simm.s32 @!p1 $0x1082;
	[sflag:s4] =	ssyncset.s32 $0xFFFFF086  }
0x25: {  	[simem:s6], [sflag:s4] =	dma.local [hbm:s3], $0xF7A  }
0x26: {  	[smem:$0x3F9F] =	sst s1;
	(tag) =	ssettag s2;
	_ =	strace s9  }
0x27: {  	s1 =	sld [smem:$0x3FAF]  }
0x28: {  	s2 =	sld [smem:$0x3FB0]  }
0x29: {  	s4 =	sld [smem:$0x3FB2]  }
0x2a: {  	p0 =	seq.s32 s5, $0x0;
	s5 =	sld [smem:$0x3FB3]  }
0x2b: {  	s6 =	sld [smem:$0x3FB4]  }
0x2c: {  	s7 =	sld [smem:$0x3FB5]  }
0x2d: {  	s3 =	simm.s32 $0x108;
	s8 =	sld [smem:$0x3FB6]  }
0x2e: {  	s3 =	simm.s32 @!p0 $0x1082;
	s9 =	sld [smem:$0x3FB7]  }
0x2f: {  	lr =	sadd.s32 s0, s3;
	s0 =	sld [smem:$0x3FAE]  }
0x30: {  	s3 =	sld [smem:$0x3FB1]  }
0x31: {  	[smem:$0x3FBA] =	sst s10  }
0x32: {  	s10 =	sld [smem:$0x3FB8];
	_ =	sdelay $0x3  }
0x33: {  	p0 =	seq.s32 s10, $0x1;
	s10 =	sld [smem:$0x3FBA];
	_ =	sdelay $0x3  }
0x34: {  	[smem:$0x3FBA] =	sst s10  }
0x35: {  	s10 =	sld [smem:$0x3FB9];
	_ =	sdelay $0x3  }
0x36: {  	p1 =	seq.s32 s10, $0x1;
	s10 =	sld [smem:$0x3FBA];
	_ =	sdelay $0x3  }
0x37: {  	[smem:$0x3FBA] =	sst s10  }
0x38: {  	s10 =	sld [smem:$0x3FBB]  }
0x39: {  	_ = 	snop;
	(pc) =	sbr.ind lr, $3  }
0x3a: {  	_ = 	snop  }
0x3b: {  	_ = 	snop  }
0x3c: {  	p2 =	seq.s32 s10, $0x1;
	s10 =	sld [smem:$0x3FBA]  }
0x3d: {  	_ =	shalt  }
0x3e: {  	_ =	shalt  }
0x3f: {  	_ =	shalt  }
0x40: {  	_ =	shalt  }
0x41: {  	_ =	shalt  }
0x42: {  	_ =	shalt  }
0x43: {  	_ =	shalt  }
0x44: {  	_ =	shalt  }
0x45: {  	_ =	shalt  }
0x46: {  	_ =	shalt  }
0x47: {  	_ =	shalt  }
0x48: {  	_ =	shalt  }
0x49: {  	_ =	shalt  }
0x4a: {  	_ =	shalt  }
0x4b: {  	_ =	shalt  }
0x4c: {  	_ =	shalt  }
0x4d: {  	_ =	shalt  }
0x4e: {  	_ =	shalt  }
0x4f: {  	_ =	shalt  }
0x50: {  	_ =	shalt  }
0x51: {  	_ =	shalt  }
0x52: {  	_ =	shalt  }
0x53: {  	_ =	shalt  }
0x54: {  	_ =	shalt  }
0x55: {  	_ =	shalt  }
0x56: {  	_ =	shalt  }
0x57: {  	_ =	shalt  }
0x58: {  	_ =	shalt  }
0x59: {  	_ =	shalt  }
0x5a: {  	_ =	shalt  }
0x5b: {  	_ =	shalt  }
0x5c: {  	_ =	shalt  }
0x5d: {  	_ =	shalt  }
0x5e: {  	_ =	shalt  }
0x5f: {  	_ =	shalt  }
0x60: {  	_ =	shalt  }
0x61: {  	_ =	shalt  }
0x62: {  	_ =	shalt  }
0x63: {  	_ =	shalt  }
0x64: {  	_ =	shalt  }
0x65: {  	_ =	shalt  }
0x66: {  	_ =	shalt  }
0x67: {  	_ =	shalt  }
0x68: {  	_ =	shalt  }
0x69: {  	_ =	shalt  }
0x6a: {  	_ =	shalt  }
0x6b: {  	_ =	shalt  }
0x6c: {  	_ =	shalt  }
0x6d: {  	_ =	shalt  }
0x6e: {  	_ =	shalt  }
0x6f: {  	_ =	shalt  }
0x70: {  	_ =	shalt  }
0x71: {  	_ =	shalt  }
0x72: {  	_ =	shalt  }
0x73: {  	_ =	shalt  }
0x74: {  	_ =	shalt  }
0x75: {  	_ =	shalt  }
0x76: {  	_ =	shalt  }
0x77: {  	_ =	shalt  }
0x78: {  	_ =	shalt  }
0x79: {  	_ =	shalt  }
0x7a: {  	_ =	shalt  }
0x7b: {  	_ =	shalt  }
0x7c: {  	_ =	shalt  }
0x7d: {  	_ =	shalt  }
0x7e: {  	_ =	shalt  }
0x7f: {  	_ =	shalt  }
0x80: {  	_ =	shalt  }
0x81: {  	_ =	shalt  }
0x82: {  	_ =	shalt  }
0x83: {  	_ =	shalt  }
0x84: {  	_ =	shalt  }
0x85: {  	_ =	shalt  }
0x86: {  	_ =	shalt  }
0x87: {  	_ =	shalt  }
.Lfunc_end0:
.L_simem_size_0:
called_computation_lowered:
.L_overlay_start_0:
0x88: {  	s2 =	sld [smem:$0x3FD9]  }
0x89: {  	s3 =	sld [smem:$0x3FFE];
	_ =	sdelay $0x1  }
0x8a: {  	s1 =	srdreg.scid  }
0x8b: {  	s0 =	sand.u32 $0x1, s1  }
0x8c: {  	s18 =	sshll.u32 s0, $0xA;
	s2 =	sadd.s32 s3, s2  }
0x8d: {  	s2 =	sadd.s32 s2, s18  }
0x8e: {  	[smem:$0x3FC6] =	sst s2  }
0x8f: {  	_ = 	snop  }
0x90: {  	s2 =	sld [smem:$0x3FC9]  }
0x91: {  	s19 =	sld [smem:$0x3FC8]  }
0x92: {  	s4 =	sld [smem:$0x3FD0];
	(tm) =	ssettm $0x1  }
0x93: {  	s5 =	sld [smem:$0x3FFB];
	_ =	sdelay $0x3  }
0x94: {  	_ =	strace s5  }
0x95: {  	s5 =	sld [smem:$0x3FFC];
	_ =	sdelay $0x3  }
0x96: {  	_ =	strace s5  }
0x97: {  	s5 =	sld [smem:$0x3FFD];
	_ =	sdelay $0x3  }
0x98: {  	_ =	strace s5  }
0x99: {  	_ =	strace $0x8FFFFFFF  }
0x9a: {  	s20 =	sld [smem:$0x3FDB];
	_ =	sdelay $0x1  }
0x9b: {  	s6 =	simm.s32 $_scs_section_size  }
0x9c: {  	s7 =	simm.s32 $_size__tile_overlayer_lowered;
	s8 =	simm.s32 $_tile_overlayer_lowered  }
0x9d: {  	s23 =	simm.s32 $0x1BFF;
	s22 =	sshll.u32 s8, $0x1;
	s5 =	sadd.s32 s6, s20  }
0x9e: {  	s9 =	simm.s32 $0x0;
	s21 =	sshll.u32 s7, $0x1;
	s7 =	sadd.s32 s22, s5  }
0x9f: {  	[timem:s9], [sflag:s23] =	dma.local [hbm:s7], s21  }
0xa0: {  	_ =	swait.ge [sflag:s23], s21  }
0xa1: {  	s6 =	ssub.s32 $0x0, s21;
	[sflag:s23] =	ssyncset.done $0x0  }
0xa2: {  	[sflag:s23] =	ssyncadd.s32 s6;
	_ =	sdelay $0x1  }
0xa3: {  	s24 =	simm.s32 $0x1B8B  }
0xa4: {  	_ =	swait.ge [sflag:s24], $0x1  }
0xa5: {  	[sflag:s24] =	ssyncset.done $0x0  }
0xa6: {  	s25 =	simm.s32 $0x1B8E;
	[sflag:s24] =	ssyncadd.s32 $0xFFFFFFFF  }
0xa7: {  	s26 =	simm.s32 $execute0_lowered;
	[smem:$0x3FD2] =	sst s25  }
0xa8: {  	s6 =	sshll.u32 s26, $0x1;
	_ =	strace $0x80000046;
	[dreg:$0x1] =	wrdreg $0xFFFFFFFF  }
0xa9: {  	s28 =	simm.s32 $_size_execute0_lowered;
	s5 =	sadd.s32 s5, s6;
	[dreg:$0x0] =	wrdreg $0x0  }
0xaa: {  	s6 =	sshll.u32 s28, $0x1;
	[dreg:$0x2] =	wrdreg s5  }
0xab: {  	[dreg:$0x3] =	wrdreg s6  }
0xac: {  	[dreg:$0x4] =	wrdreg $0xC0  }
0xad: {  	_ =	task [dreg:s9], $0x5FFFF  }
0xae: {  	[dreg:$0x1] =	wrdreg $0xFFFFFFFF  }
0xaf: {  	[dreg:$0x0] =	wrdreg $0x60  }
0xb0: {  	[dreg:$0x2] =	wrdreg s2  }
0xb1: {  	[dreg:$0x3] =	wrdreg s19  }
0xb2: {  	[dreg:$0x4] =	wrdreg s4  }
0xb3: {  	[dreg:$0x5] =	wrdreg $0x9  }
0xb4: {  	_ =	task.clear_ibuf [dreg:s9], $0x6FFFF;
	_ =	strace $0x90000046  }
0xb5: {  	s29 =	simm.s32 $0x9;
	_ =	strace $0x80000048  }
0xb6: {  	_ =	swait.ge [sflag:s29], $0x1  }
0xb7: {  	[sflag:s29] =	ssyncadd.s32 $0xFFFFFFFF  }
0xb8: {  	_ =	strace $0x90000048  }
0xb9: {  	_ =	sfence  }
0xba: {  	s30 =	sld [smem:$0x0];
	_ =	sdelay $0x2  }
0xbb: {  	s31 =	sshll.u32 s1, $0xD;
	s1 =	sshrl.u32 s1, $0x2  }
0xbc: {  	s3 =	sand.u32 $0x4000, s31;
	s1 =	sadd.s32 s1, s30  }
0xbd: {  	s0 =	sor.u32 s3, s0;
	s1 =	sshll.u32 s1, $0x11  }
0xbe: {  	s0 =	sor.u32 s1, s0  }
0xbf: {  	s0 =	sadd.s32 $0x8F2B, s0  }
0xc0: {  	[sflag:s0] =	ssyncadd.remote.s32 $0x1  }
0xc1: {  	_ =	sfence.sel $0xFFFF  }
0xc2: {  	[dreg:$0x0] =	wrdreg $0xFFFFFFFF;
	(pc) =	sbr.abs _section_cstart, $3  }
0xc3: {  	[dreg:$0x1] =	wrdreg $0xFFFFFFFF  }
0xc4: {  	_ =	task.clear_ibuf [dreg:s9], $0x2FFFF;
	_ =	strace $0x9FFFFFFF  }
0xc5: {  	(tm) =	ssettm $0x7FFFFFFF  }
tec
execute0_lowered:
.L_overlay_start_1:
0x0: {  	(tag) =	ssettag $0x1  }
0x1: {  	v0 =	vimm.s32 $0xFEDCBA98;
	v1 =	vimm.s32 $0x76543210  }
0x2: {  	v3 =	vimm.s32 $0xBA98FEDC;
	v4 =	vimm.s32 $0x32107654;
	v5 =	vimm.s32 $0xDCFE98BA  }
0x3: {  	v6 =	vimm.s32 $0x54761032;
	v7 =	vimm.s32 $0xEFCDAB89;
	v8 =	vimm.s32 $0x67452301  }
0x4: {  	v0 =	vunpack.c.l.s4.s8 v0;
	v1 =	vunpack.c.l.s4.s8 v1;
	v3 =	vunpack.c.l.s4.s8 v3  }
0x5: {  	v4 =	vunpack.c.l.s4.s8 v4;
	v5 =	vunpack.c.l.s4.s8 v5;
	v6 =	vunpack.c.l.s4.s8 v6  }
0x6: {  	v7 =	vunpack.c.l.s4.s8 v7;
	v8 =	vunpack.c.l.s4.s8 v8;
	v2 =	vunpack.c.0.s8.s32 v0  }
0x7: {  	v0 =	vlaneseq.u32;
	v1 =	vunpack.c.0.s8.s32 v1;
	v3 =	vunpack.c.0.s8.s32 v3  }
0x8: {  	v4 =	vunpack.c.0.s8.s32 v4;
	v5 =	vunpack.c.0.s8.s32 v5;
	v6 =	vunpack.c.0.s8.s32 v6  }
0x9: {  	v7 =	vunpack.c.0.s8.s32 v7;
	v8 =	vunpack.c.0.s8.s32 v8;
	v2 =	vand.u32 $0xF, v2  }
0xa: {  	v1 =	vcombine.low v2, v1;
	v2 =	vcombine.low v4, v3;
	v3 =	vmul.u32 $0x10, v0  }
0xb: {  	v38 =	vor.u32 $0x10, v0;
	v4 =	vcombine.low v6, v5  }
0xc: {  	v5 =	vcombine.low v8, v7;
	v6 =	vimm.f32 $0.0e+00;
	v7 =	vor.u32 $0x100, v3  }
0xd: {  	v8 =	vor.u32 $0x1, v3;
	v9 =	vor.u32 $0x101, v3;
	v10 =	vor.u32 $0x2, v3  }
0xe: {  	s2 =	srdreg.scid;
	s3 =	rddreg [dreg:$0x2];
	v11 =	vor.u32 $0x102, v3;
	v12 =	vor.u32 $0x3, v3;
	v13 =	vor.u32 $0x103, v3  }
0xf: {  	s4 =	simm.s32 $0x0;
	s0 =	stileid.u32;
	s8 =	simm.s32 $0x1;
	v14 =	vor.u32 $0x4, v3;
	v15 =	vor.u32 $0x104, v3;
	v16 =	vor.u32 $0x5, v3  }
0x10: {  	s9 =	simm.s32 $0x18000;
	s10 =	simm.s32 $0x10000;
	s11 =	simm.s32 $0x18080;
	v17 =	vor.u32 $0x105, v3;
	v18 =	vor.u32 $0x6, v3;
	v19 =	vor.u32 $0x106, v3  }
0x11: {  	s12 =	simm.s32 $0x18100;
	s13 =	simm.s32 $0x18500;
	s2 =	sand.u32 $0x1, s2;
	v20 =	vor.u32 $0x7, v3;
	v21 =	vor.u32 $0x107, v3;
	v22 =	vor.u32 $0x8, v3  }
.Ltmp0:
0x12: {  	s14 =	simm.s32 $0x18580;
	s5 =	ssub.s32 $0x2, s2;
	v23 =	vor.u32 $0x108, v3;
	v24 =	vor.u32 $0x9, v3;
	v25 =	vor.u32 $0x109, v3;
	(pc) =	sbr.rel .LBB2_1-.Ltmp0, $4  }
0x13: {  	s15 =	simm.s32 $0x18600;
	s1 =	simm.s32 $0x0;
	s6 =	sshrl.u32 s5, $0x1;
	v26 =	vor.u32 $0xA, v3;
	v27 =	vor.u32 $0x10A, v3;
	v28 =	vor.u32 $0xB, v3  }
0x14: {  	s17 =	simm.s32 $0x0;
	[smem:$0x7FF] =	sst s4;
	s5 =	ssub.s32 s5, s6;
	v29 =	vor.u32 $0x10B, v3;
	v30 =	vor.u32 $0xC, v3;
	v31 =	vor.u32 $0x10C, v3  }
0x15: {  	s30 =	sshll.u32 s0, $0x4;
	s2 =	sshll.u32 s2, $0x3;
	s31 =	smax.u32 s5, $0x1;
	v32 =	vor.u32 $0xD, v3;
	v33 =	vor.u32 $0x10D, v3;
	v34 =	vor.u32 $0xE, v3  }
0x16: {  	_ =	strace $0x80000047;
	s6 =	sor.u32 s2, s30;
	[dreg:$0x4] =	wrdreg s31;
	v35 =	vor.u32 $0x10E, v3;
	v36 =	vor.u32 $0xF, v3;
	v37 =	vor.u32 $0x10F, v3  }
.LBB2_35:
0x17: {  	s1 =	rddreg [dreg:$0x5]  }
0x18: {  	s0 =	rddreg [dreg:$0x4];
	s1 =	sadd.s32 $0x1, s1  }
0x19: {  	p0 =	sne.s32 s1, s0  }
.Ltmp1:
0x1a: {  	_ = 	snop;
	(pc) =	sbr.rel @!p0 .LBB2_36-.Ltmp1, $1  }
0x1b: {  	_ =	sdelay $0x3  }
.LBB2_1:
0x1c: {  	v39 =	vadd.s32 s8, v0  }
0x1d: {  	v39 =	vcvt.s32.f32 v39  }
0x1e: {  	s2 =	simm.s32 $0x18300  }
0x1f: {  	[dreg:$0x5] =	wrdreg s1;
	s5 =	simm.s32 $0x11;
	[tilespmem:s2+$0x0] =	vst v39  }
.LBB2_2:
0x20: {  	p0 =	sne.s32 s5, $0x1F1  }
.Ltmp2:
0x21: {  	_ = 	snop;
	(pc) =	sbr.rel @p0 .LBB2_2-.Ltmp2, $4  }
0x22: {  	v39 =	vadd.s32 s5, v0  }
0x23: {  	v39 =	vcvt.s32.f32 v39  }
0x24: {  	s2 =	sadd.s32 $0x10, s2  }
0x25: {  	s5 =	sadd.s32 $0x10, s5;
	[tilespmem:s2+$0x0] =	vst v39  }
.Ltmp3:
0x26: {  	(pc) =	sbr.rel .LBB2_4-.Ltmp3, $2  }
0x27: {  	_ =	sdelay $0x2  }
0x28: {  	s18 =	simm.s32 $0x0  }
.LBB2_34:
0x29: {  	s18 =	sadd.s32 $0x1, s18  }
0x2a: {  	s0 =	sshll.u32 s19, $0x4;
	p0 =	sne.s32 s18, $0x8  }
.Ltmp4:
0x2b: {  	s0 =	sadd.s32 s3, s0;
	(pc) =	sbr.rel @!p0 .LBB2_35-.Ltmp4, $4  }
0x2c: {  	[hbm4b:s0+s4] =	stream.linear.scatter [tilespmem:s15], [sflag:$0x1], $0x80, $0x38;
	[tilespmem:$0x18680] =	vst v63  }
0x2d: {  	_ =	swait.ge [sflag:s8], $0x80  }
0x2e: {  	[sflag:s8] =	ssyncset.done $0x0  }
0x2f: {  	[sflag:s8] =	ssyncadd.s32 $0xFFFFFF80  }
.LBB2_4:
0x30: {  	s19 =	sadd.s32 s6, s18  }
0x31: {  	s0 =	rddreg [dreg:$0x1];
	s20 =	sshll.u32 s19, $0xD  }
0x32: {  	s2 =	sadd.s32 s0, s20  }
0x33: {  	[tilespmem:s17], [sflag:$0x1] =	stream.linear.gather [hbm4b:s2+s17], $0x10000, $0x38;
	[tilespmem:$0x18680] =	vst v63  }
0x34: {  	_ =	swait.ge [sflag:s8], $0x10000  }
0x35: {  	[sflag:s8] =	ssyncset.done $0x0  }
0x36: {  	s21 =	simm.s32 $0x0;
	[sflag:s8] =	ssyncadd.s32 $0xFFFF0000  }
.LBB2_5:
0x37: {  	s2 =	sshll.u32 s21, $0xD  }
0x38: {  	s23 =	simm.s32 $0x0;
	v39 =	vimm.f32 $0.0e+00;
	s24 =	simm.s32 $0x0;
	s22 =	sand.u32 $0x3FFFE000, s2  }
.LBB2_6:
0x39: {  	s2 =	sshll.u32 s24, $0x7  }
0x3a: {  	s2 =	sand.u32 $0x380, s2  }
0x3b: {  	s5 =	sshll.u32 s24, $0x9;
	v40 =	vmov s2  }
0x3c: {  	s30 =	sand.u32 $0x1000, s5  }
0x3d: {  	s31 =	sand.u32 $0xC00, s23;
	s2 =	sadd.s32 s30, s22  }
0x3e: {  	s7 =	sand.u32 $0x60, s23;
	s5 =	sadd.s32 s31, s2  }
0x3f: {  	s7 =	sadd.s32 s7, s5  }
0x40: {  	v41 =	vld.idx.msk [tilespmem:v40+s7+$0x0 ss:$0x1], $0xffff  }
0x41: {  	v43 =	vimm.f32 $-1.000000020e+30;
	s25 =	simm.s32 $0x100;
	s5 =	simm.s32 $0x20;
	v42 =	vld.idx.msk [tilespmem:v40+s7+$0x10 ss:$0x1], $0xffff  }
.LBB2_7:
0x42: {  	s7 =	sand.u32 $0xC00, s25  }
0x43: {  	p0 =	sne.s32 s5, $0x1E0;
	s16 =	smov.u32 s5;
	s5 =	sadd.s32 $0x20, s5  }
.Ltmp5:
0x44: {  	s16 =	sand.u32 $0x60, s16;
	s7 =	sadd.s32 s7, s2;
	(pc) =	sbr.rel @p0 .LBB2_7-.Ltmp5, $4  }
0x45: {  	s7 =	sadd.s32 s16, s7  }
0x46: {  	v43 =	vmax.f32 v43, v41;
	v41 =	vld.idx.msk [tilespmem:v40+s7+$0x0 ss:$0x1], $0xffff  }
0x47: {  	v43 =	vmax.f32 v43, v42;
	v42 =	vld.idx.msk [tilespmem:v40+s7+$0x10 ss:$0x1], $0xffff  }
0x48: {  	s25 =	sadd.s32 $0x100, s25  }
0x49: {  	_ =	sdelay $0x1  }
0x4a: {  	v40 =	vmax.f32 v43, v41  }
0x4b: {  	v40 =	vmax.f32 v40, v42  }
0x4c: {  	v61 =	vperm.xlane v40, v1;
	_ =	sdelay $0x1  }
0x4d: {  	v40 =	vmax.f32 v40, v61  }
0x4e: {  	v41 =	vperm.xlane v40, v2;
	_ =	sdelay $0x1  }
0x4f: {  	v40 =	vmax.f32 v40, v41  }
0x50: {  	v62 =	vmov s24;
	s24 =	sadd.s32 $0x1, s24;
	v41 =	vperm.xlane v40, v4  }
0x51: {  	p0 =	sne.s32 s24, $0x10  }
.Ltmp6:
0x52: {  	v40 =	vmax.f32 v40, v41;
	(pc) =	sbr.rel @p0 .LBB2_6-.Ltmp6, $3  }
0x53: {  	v63 =	vperm.xlane v40, v5;
	_ =	sdelay $0x1  }
0x54: {  	vm0 =	veq.s32 v62, v0;
	v40 =	vmax.f32 v40, v63  }
0x55: {  	v39 =	vsel vm0, v40, v39  }
0x56: {  	s2 =	sshll.u32 s21, $0x4;
	s21 =	sadd.s32 $0x1, s21  }
0x57: {  	p0 =	seq.s32 s21, $0x8  }
.Ltmp7:
0x58: {  	_ = 	snop;
	(pc) =	sbr.rel @!p0 .LBB2_5-.Ltmp7, $3  }
0x59: {  	_ =	sdelay $0x1  }
0x5a: {  	s2 =	sand.u32 $0x3FFFFFF0, s2  }
0x5b: {  	s22 =	simm.s32 $0x0;
	[tilespmem:s2+$0x18000] =	vst v39  }
0x5c: {  	s21 =	simm.s32 $0x0  }
.LBB2_11:
0x5d: {  	v45 =	vmov s22;
	_ =	sdelay $0x2  }
0x5e: {  	s2 =	sshll.u32 s21, $0x4  }
0x5f: {  	s5 =	simm.s32 $0x1;
	v39 =	vld [tilespmem:s2+$0x18000]  }
0x60: {  	v41 =	vmov s5;
	v44 =	vld.idx.msk [tilespmem:v45+s9+$0x0], $0xffff;
	_ =	sdelay $0x3  }
0x61: {  	v42 =	vor.u32 s2, v0  }
0x62: {  	v40 =	vimm.f32 $0.0e+00;
	s5 =	simm.s32 $0x2;
	vm1 =	vlt.u32 v45, v42;
	v43 =	vld.idx.msk [tilespmem:v41+s9+$0x0], $0xffff;
	vm0 =	veq.f32 v44, v39  }
.LBB2_12:
0x63: {  	v45 =	vmov s5;
	p0 =	sne.s32 s5, $0x7F;
	s5 =	sadd.s32 $0x1, s5;
	vm2 =	vgt.f32 v44, v39;
	vm0 =	vmand vm1, vm0  }
.Ltmp8:
0x64: {  	vm0 =	vmor vm2, vm0;
	(pc) =	sbr.rel @p0 .LBB2_12-.Ltmp8, $3  }
0x65: {  	v44 =	vsel vm0, $0x3F800000, v6  }
0x66: {  	v40 =	vadd.f32 v44, v40;
	_ =	sdelay $0x1  }
0x67: {  	vm1 =	vlt.u32 v41, v42;
	v41 =	vmovc v45;
	vm0 =	veq.f32 v43, v39;
	v44 =	vmov v43;
	v43 =	vld.idx.msk [tilespmem:v45+s9+$0x0], $0xffff  }
0x68: {  	_ =	sdelay $0x2  }
0x69: {  	vm2 =	vgt.f32 v44, v39;
	vm0 =	vmand vm1, vm0  }
0x6a: {  	vm14 =	vlt.u32 v41, v42;
	vm0 =	vmor vm2, vm0;
	vm13 =	veq.f32 v43, v39  }
0x6b: {  	v61 =	vsel vm0, $0x3F800000, v6;
	vm15 =	vgt.f32 v43, v39;
	vm1 =	vmand vm14, vm13  }
0x6c: {  	s21 =	sadd.s32 $0x1, s21;
	v62 =	vadd.f32 v61, v40;
	vm0 =	vmor vm15, vm1  }
0x6d: {  	p0 =	seq.s32 s21, $0x8;
	v63 =	vsel vm0, $0x3F800000, v6  }
.Ltmp9:
0x6e: {  	v39 =	vadd.f32 v63, v62;
	(pc) =	sbr.rel @!p0 .LBB2_11-.Ltmp9, $3  }
0x6f: {  	_ = 	snop  }
0x70: {  	v39 =	vadd.f32 $1.000000000e+00, v39;
	_ =	sdelay $0x1  }
0x71: {  	[tilespmem:s2+$0x18080] =	vst v39  }
.Ltmp10:
0x72: {  	(pc) =	sbr.rel .LBB2_15-.Ltmp10, $3  }
0x73: {  	_ =	sdelay $0x1  }
0x74: {  	s0 =	rddreg [dreg:$0x0];
	s21 =	simm.s32 $0x0  }
0x75: {  	p1 =	por $0x1, $0x1;
	s2 =	simm.s32 $0x0;
	s20 =	sadd.s32 s0, s20  }
.LBB2_33:
.Ltmp11:
0x76: {  	(pc) =	sbr.rel @!p0 .LBB2_34-.Ltmp11, $2  }
0x77: {  	_ =	sdelay $0x2  }
0x78: {  	s2 =	simm.s32 $0x1;
	p1 =	por $0x0, $0x0  }
.LBB2_15:
0x79: {  	s5 =	sshll.u32 s2, $0xC  }
.Ltmp12:
0x7a: {  	s5 =	sadd.s32 s5, s20;
	(pc) =	sbr.rel .LBB2_16-.Ltmp12, $4  }
0x7b: {  	[tilespmem:s10], [sflag:$0x1] =	stream.linear.gather [hbm4b:s5+s21], $0x8000, $0x38;
	[tilespmem:$0x18680] =	vst v63  }
0x7c: {  	_ =	swait.ge [sflag:s8], $0x8000  }
0x7d: {  	p0 =	por p1, p1;
	[sflag:s8] =	ssyncset.done $0x0  }
0x7e: {  	s22 =	sshll.u32 s2, $0x6;
	s23 =	simm.s32 $0x0;
	[sflag:s8] =	ssyncadd.s32 $0xFFFF8000  }
.LBB2_32:
0x7f: {  	s23 =	sadd.s32 $0x1, s23  }
0x80: {  	p1 =	sne.s32 s23, $0x40  }
.Ltmp13:
0x81: {  	_ = 	snop;
	(pc) =	sbr.rel @!p1 .LBB2_33-.Ltmp13, $2  }
0x82: {  	_ =	sdelay $0x2  }
0x83: {  	[tilespmem:v39+s15+$0x0] =	vst.idx.msk $0x1, v42  }
.LBB2_16:
0x84: {  	s24 =	sadd.s32 s22, s23  }
0x85: {  	s2 =	sshll.u32 s23, $0x9;
	s5 =	sshll.u32 s23, $0x7;
	v39 =	vmov s24  }
0x86: {  	s2 =	sand.u32 $0x7000, s2;
	s25 =	sand.u32 $0x380, s5;
	s5 =	simm.s32 $0x0  }
0x87: {  	s2 =	sor.u32 s25, s2;
	s7 =	sand.u32 $0x3000, s5  }
0x88: {  	s26 =	sor.u32 $0x10000, s2;
	s0 =	sshrl.u32 s7, $0x2  }
0x89: {  	s1 =	sand.u32 $0x60, s5;
	s2 =	sadd.s32 s0, s26  }
0x8a: {  	s16 =	sadd.s32 s1, s2;
	v40 =	vld.idx.msk [tilespmem:v39+s11+$0x0], $0xffff  }
0x8b: {  	v42 =	vld [tilespmem:s16+$0x0]  }
0x8c: {  	s28 =	simm.s32 $0x18300  }
0x8d: {  	v43 =	vld [tilespmem:s28+$0x0];
	_ =	sdelay $0x2  }
0x8e: {  	v41 =	vadd.f32 $5.120000000e+02, v40;
	v44 =	vsub.f32 $1.000000000e+00, v42;
	_ =	sdelay $0x1  }
0x8f: {  	v42 =	vmul.f32 v43, v42;
	v60 =	vmul.f32 v44, v41;
	_ =	sdelay $0x1  }
0x90: {  	v43 =	vadd.f32 v60, v42  }
0x91: {  	s29 =	simm.s32 $0x18100;
	s7 =	sor.u32 $0x10, s1  }
0x92: {  	s2 =	sadd.s32 s7, s2;
	[tilespmem:s29+$0x0] =	vst v43  }
0x93: {  	s5 =	sand.u32 $0x180, s5;
	v61 =	vld [tilespmem:s2+$0x0]  }
0x94: {  	s0 =	sor.u32 s5, s7  }
0x95: {  	v62 =	vld [tilespmem:s0+$0x18300];
	_ =	sdelay $0x2  }
0x96: {  	v45 =	vsub.f32 $1.000000000e+00, v61;
	_ =	sdelay $0x1  }
0x97: {  	s31 =	simm.s32 $0x400;
	v42 =	vmul.f32 v62, v61;
	v63 =	vmul.f32 v45, v41  }
0x98: {  	s16 =	sand.u32 $0x3000, s31  }
0x99: {  	s30 =	simm.s32 $0x20;
	s2 =	sshrl.u32 s16, $0x2;
	v44 =	vadd.f32 v63, v42  }
0x9a: {  	s5 =	sand.u32 $0x60, s30;
	s2 =	sadd.s32 s2, s26  }
0x9b: {  	s7 =	simm.s32 $0x40;
	s16 =	sadd.s32 s5, s2;
	v42 =	vimm.f32 $1.000000020e+30;
	[tilespmem:s0+$0x18100] =	vst v44;
	v43 =	vmin.f32 v43, v44  }
.LBB2_17:
0x9c: {  	s28 =	sadd.s32 $0x20, s28  }
0x9d: {  	v44 =	vld [tilespmem:s16+$0x0];
	v42 =	vmin.f32 v42, v43;
	s29 =	sadd.s32 $0x20, s29;
	s0 =	smov.u32 s7;
	s1 =	sadd.s32 $0x20, s7  }
0x9e: {  	p1 =	sne.s32 s7, $0x1E0  }
0x9f: {  	v43 =	vld [tilespmem:s28+$0x0];
	_ =	sdelay $0x2  }
0xa0: {  	v45 =	vsub.f32 $1.000000000e+00, v44;
	_ =	sdelay $0x1  }
0xa1: {  	v43 =	vmul.f32 v43, v44;
	v44 =	vmul.f32 v45, v41;
	_ =	sdelay $0x1  }
0xa2: {  	v43 =	vadd.f32 v44, v43  }
0xa3: {  	s5 =	sor.u32 $0x10, s5  }
0xa4: {  	s2 =	sadd.s32 s5, s2;
	[tilespmem:s29+$0x0] =	vst v43  }
0xa5: {  	v44 =	vld [tilespmem:s2+$0x0];
	s2 =	sand.u32 $0x180, s30;
	s30 =	smov.u32 s0  }
0xa6: {  	s0 =	sor.u32 s2, s5  }
0xa7: {  	v45 =	vld [tilespmem:s0+$0x18300];
	_ =	sdelay $0x2  }
0xa8: {  	v46 =	vsub.f32 $1.000000000e+00, v44;
	_ =	sdelay $0x1  }
.Ltmp14:
0xa9: {  	s31 =	sadd.s32 $0x400, s31;
	v44 =	vmul.f32 v45, v44;
	v45 =	vmul.f32 v46, v41;
	(pc) =	sbr.rel @p1 .LBB2_17-.Ltmp14, $4  }
0xaa: {  	s2 =	sand.u32 $0x3000, s31  }
0xab: {  	s2 =	sshrl.u32 s2, $0x2;
	v44 =	vadd.f32 v45, v44  }
0xac: {  	s5 =	sand.u32 $0x60, s30;
	s2 =	sadd.s32 s2, s26  }
0xad: {  	s7 =	smov.u32 s1;
	s16 =	sadd.s32 s5, s2;
	[tilespmem:s0+$0x18100] =	vst v44;
	v43 =	vmin.f32 v43, v44  }
0xae: {  	v44 =	vld [tilespmem:s16+$0x0]  }
0xaf: {  	s0 =	sadd.s32 $0x20, s28  }
0xb0: {  	v45 =	vld [tilespmem:s0+$0x0];
	_ =	sdelay $0x2  }
0xb1: {  	v46 =	vsub.f32 $1.000000000e+00, v44;
	_ =	sdelay $0x1  }
0xb2: {  	v44 =	vmul.f32 v45, v44;
	v57 =	vmul.f32 v46, v41;
	_ =	sdelay $0x1  }
0xb3: {  	v44 =	vadd.f32 v57, v44  }
0xb4: {  	s28 =	sadd.s32 $0x20, s29;
	s1 =	sor.u32 $0x10, s5  }
0xb5: {  	s29 =	sadd.s32 s1, s2;
	[tilespmem:s28+$0x0] =	vst v44  }
0xb6: {  	s30 =	sand.u32 $0x180, s30;
	v58 =	vld [tilespmem:s29+$0x0]  }
0xb7: {  	s0 =	sor.u32 s30, s1  }
0xb8: {  	v59 =	vld [tilespmem:s0+$0x18300];
	_ =	sdelay $0x2  }
0xb9: {  	v47 =	vsub.f32 $1.000000000e+00, v58;
	_ =	sdelay $0x1  }
0xba: {  	v45 =	vmul.f32 v59, v58;
	v60 =	vmul.f32 v47, v41;
	_ =	sdelay $0x1  }
0xbb: {  	v41 =	vadd.f32 v60, v45;
	_ =	sdelay $0x1  }
0xbc: {  	[tilespmem:s0+$0x18100] =	vst v41  }
0xbd: {  	v61 =	vld.idx.msk [tilespmem:v3+s12+$0x0], $0xffff  }
0xbe: {  	v62 =	vld.idx.msk [tilespmem:v8+s12+$0x0], $0xffff  }
0xbf: {  	v63 =	vld.idx.msk [tilespmem:v10+s12+$0x0], $0xffff  }
0xc0: {  	v48 =	vld.idx.msk [tilespmem:v12+s12+$0x0], $0xffff  }
0xc1: {  	v49 =	vld.idx.msk [tilespmem:v14+s12+$0x0], $0xffff  }
0xc2: {  	v42 =	vmin.f32 v42, v43;
	v41 =	vmin.f32 v44, v41;
	v53 =	vld.idx.msk [tilespmem:v16+s12+$0x0], $0xffff;
	v52 =	vmin.f32 v61, $1.000000020e+30  }
0xc3: {  	v41 =	vmin.f32 v42, v41;
	v55 =	vld.idx.msk [tilespmem:v18+s12+$0x0], $0xffff;
	v54 =	vmin.f32 v52, v62  }
0xc4: {  	v57 =	vld.idx.msk [tilespmem:v20+s12+$0x0], $0xffff;
	v56 =	vperm.xlane v41, v1;
	v42 =	vmin.f32 v54, v63  }
0xc5: {  	v58 =	vld.idx.msk [tilespmem:v22+s12+$0x0], $0xffff;
	v42 =	vmin.f32 v42, v48  }
0xc6: {  	v59 =	vld.idx.msk [tilespmem:v24+s12+$0x0], $0xffff;
	v41 =	vmin.f32 v41, v56;
	v42 =	vmin.f32 v42, v49  }
0xc7: {  	v60 =	vperm.xlane v41, v2;
	v61 =	vld.idx.msk [tilespmem:v26+s12+$0x0], $0xffff;
	v42 =	vmin.f32 v42, v53  }
0xc8: {  	v62 =	vld.idx.msk [tilespmem:v28+s12+$0x0], $0xffff;
	v42 =	vmin.f32 v42, v55  }
0xc9: {  	v41 =	vmin.f32 v41, v60;
	v63 =	vld.idx.msk [tilespmem:v30+s12+$0x0], $0xffff;
	v42 =	vmin.f32 v42, v57  }
0xca: {  	v52 =	vld.idx.msk [tilespmem:v32+s12+$0x0], $0xffff;
	v48 =	vperm.xlane v41, v4;
	v42 =	vmin.f32 v42, v58  }
0xcb: {  	v53 =	vld.idx.msk [tilespmem:v34+s12+$0x0], $0xffff;
	v42 =	vmin.f32 v42, v59  }
0xcc: {  	v54 =	vld.idx.msk [tilespmem:v36+s12+$0x0], $0xffff;
	v41 =	vmin.f32 v41, v48;
	v42 =	vmin.f32 v42, v61  }
0xcd: {  	v48 =	vperm.xlane v41, v5;
	v42 =	vmin.f32 v42, v62  }
0xce: {  	v42 =	vmin.f32 v42, v63  }
0xcf: {  	v41 =	vmin.f32 v41, v48;
	v42 =	vmin.f32 v42, v52  }
0xd0: {  	v41 =	vadd.f32 $5.119999890e+00, v41;
	v42 =	vmin.f32 v42, v53  }
0xd1: {  	v42 =	vmin.f32 v42, v54  }
0xd2: {  	vm1 =	vle.f32 v42, v41  }
0xd3: {  	v43 =	vmpcnt.ones.xlane vm1;
	_ =	sdelay $0x1  }
0xd4: {  	vm0 =	vgt.s32 v43, $0x0  }
0xd5: {  	v55 =	vsel vm0, $0x3F800000, v6  }
0xd6: {  	(xrf0) =	vmin.scan.msk.f32 $0xffff, v55;
	_ =	sdelay $0x5  }
0xd7: {  	v56 =	vld.idx.msk [tilespmem:v7+s12+$0x0], $0xffff;
	v60, _, _ =	vpop (xrf0)  }
0xd8: {  	v57 =	vld.idx.msk [tilespmem:v9+s12+$0x0], $0xffff;
	(v2sf) =	vpush v60, $0xF  }
0xd9: {  	v58 =	vld.idx.msk [tilespmem:v11+s12+$0x0], $0xffff  }
0xda: {  	v59 =	vld.idx.msk [tilespmem:v13+s12+$0x0], $0xffff  }
0xdb: {  	v61 =	vld.idx.msk [tilespmem:v15+s12+$0x0], $0xffff  }
0xdc: {  	v62 =	vld.idx.msk [tilespmem:v17+s12+$0x0], $0xffff;
	v42 =	vmin.f32 v56, $1.000000020e+30  }
0xdd: {  	v63 =	vld.idx.msk [tilespmem:v19+s12+$0x0], $0xffff;
	v42 =	vmin.f32 v42, v57  }
0xde: {  	v52 =	vld.idx.msk [tilespmem:v21+s12+$0x0], $0xffff;
	v42 =	vmin.f32 v42, v58  }
0xdf: {  	v53 =	vld.idx.msk [tilespmem:v23+s12+$0x0], $0xffff;
	v42 =	vmin.f32 v42, v59  }
0xe0: {  	v54 =	vld.idx.msk [tilespmem:v25+s12+$0x0], $0xffff;
	v42 =	vmin.f32 v42, v61  }
0xe1: {  	v42 =	vmin.f32 v42, v62;
	v55 =	vld.idx.msk [tilespmem:v27+s12+$0x0], $0xffff  }
0xe2: {  	v56 =	vld.idx.msk [tilespmem:v29+s12+$0x0], $0xffff;
	v42 =	vmin.f32 v42, v63  }
0xe3: {  	v57 =	vld.idx.msk [tilespmem:v31+s12+$0x0], $0xffff;
	v42 =	vmin.f32 v42, v52  }
0xe4: {  	v58 =	vld.idx.msk [tilespmem:v33+s12+$0x0], $0xffff;
	v42 =	vmin.f32 v42, v53  }
0xe5: {  	v59 =	vld.idx.msk [tilespmem:v35+s12+$0x0], $0xffff;
	v42 =	vmin.f32 v42, v54  }
0xe6: {  	v42 =	vmin.f32 v42, v55;
	v60 =	vld.idx.msk [tilespmem:v37+s12+$0x0], $0xffff  }
0xe7: {  	v42 =	vmin.f32 v42, v56;
	s31 =	spop (v2sf)  }
0xe8: {  	v42 =	vmin.f32 v42, v57;
	p1 =	sgt.f32 s31, $0.0e+00  }
.Ltmp15:
0xe9: {  	v42 =	vmin.f32 v42, v58;
	(pc) =	sbr.rel @!p1 .LBB2_25-.Ltmp15, $4  }
0xea: {  	v61 =	vmin.f32 v42, v59  }
0xeb: {  	v46 =	vmov s23;
	v44 =	vmin.f32 v61, v60  }
0xec: {  	v62 =	vshll.u32 v39, $0x9;
	v63 =	vshll.u32 v39, $0x7;
	[tilespmem:s13+$0x0] =	vst.msk vm1, v0;
	vm0 =	vle.f32 v44, v41  }
0xed: {  	v45 =	vand.u32 $0x380, v63;
	v42 =	vimm.f32 $1.000000020e+30;
	v44 =	vand.u32 $0xF000, v62;
	[tilespmem:s14+$0x0] =	vst.msk vm0, v38  }
.Ltmp16:
0xee: {  	(pc) =	sbr.rel .LBB2_20-.Ltmp16, $4  }
0xef: {  	_ = 	snop  }
0xf0: {  	v42 =	vshll.u32 v46, $0x9;
	v47 =	vshll.u32 v46, $0x7;
	v49 =	vimm.s32 $0x0  }
0xf1: {  	s0 =	sshll.u32 s24, $0x9;
	v50 =	vmov s25;
	v42 =	vand.u32 $0x7000, v42;
	v48 =	vand.u32 $0x380, v47  }
0xf2: {  	v47 =	vor.u32 v45, v44;
	s26 =	sand.u32 $0xF000, s0;
	v48 =	vor.u32 v48, v42;
	v42 =	vimm.f32 $1.000000020e+30  }
.LBB2_24:
0xf3: {  	v49 =	vadd.s32 $0x1, v49  }
0xf4: {  	vm1 =	vlt.s32 v49, v43  }
0xf5: {  	v51 =	vsel vm1, $0x3F800000, v6  }
0xf6: {  	(xrf0) =	vmin.scan.msk.f32 $0xffff, v51;
	_ =	sdelay $0x5  }
0xf7: {  	v51, _, _ =	vpop (xrf0)  }
0xf8: {  	(v2sf) =	vpush v51, $0xF;
	_ =	sdelay $0xe  }
0xf9: {  	s0 =	spop (v2sf)  }
0xfa: {  	p1 =	sgt.f32 s0, $0.0e+00  }
.Ltmp17:
0xfb: {  	_ = 	snop;
	(pc) =	sbr.rel @!p1 .LBB2_25-.Ltmp17, $1  }
0xfc: {  	_ =	sdelay $0x3  }
.LBB2_20:
0xfd: {  	_ =	sdelay $0x3  }
0xfe: {  	v51 =	vld.idx.msk [tilespmem:v49+s13+$0x0], $0xffff;
	_ =	sdelay $0x4  }
0xff: {  	v51 =	vshll.u32 v51, $0x4  }
0x100: {  	v52 =	vor.u32 v0, v51;
	_ =	sdelay $0x4  }
0x101: {  	v52 =	vld.idx.msk [tilespmem:v52+s12+$0x0], $0xffff;
	_ =	sdelay $0x4  }
0x102: {  	vm1 =	vle.f32 v52, v41  }
0x103: {  	v52 =	vsel vm1, $0x3F800000, v6  }
0x104: {  	(xrf0) =	vmax.scan.msk.f32 $0xffff, v52;
	_ =	sdelay $0x5  }
0x105: {  	v52, _, _ =	vpop (xrf0)  }
0x106: {  	(v2sf) =	vpush v52, $0xF;
	_ =	sdelay $0xe  }
0x107: {  	s0 =	spop (v2sf)  }
0x108: {  	p1 =	sgt.f32 s0, $0.0e+00  }
.Ltmp18:
0x109: {  	_ = 	snop;
	(pc) =	sbr.rel @!p1 .LBB2_24-.Ltmp18, $1  }
0x10a: {  	_ =	sdelay $0x3  }
.LBB2_21:
0x10b: {  	v53 =	vmctz.xlane vm1;
	_ =	sdelay $0x1  }
0x10c: {  	v52 =	vadd.s32 v51, v53  }
0x10d: {  	v54 =	vshll.u32 v52, $0x3  }
0x10e: {  	v54 =	vand.u32 $0xFFFFFC00, v54  }
0x10f: {  	v56 =	vand.u32 $0x7F, v52;
	v55 =	vadd.s32 v47, v54  }
0x110: {  	s0 =	simm.s32 $0x0;
	v55 =	vor.u32 v56, v55  }
0x111: {  	s1 =	sand.u32 $0xC00, s0  }
0x112: {  	s2 =	sand.u32 $0x60, s0;
	s1 =	sadd.s32 s1, s26  }
0x113: {  	s29 =	sadd.s32 s2, s1  }
0x114: {  	v63 =	vld.idx.msk [tilespmem:v50+s29+$0x0 ss:$0x1], $0xffff;
	v54 =	vadd.s32 v48, v54  }
0x115: {  	v54 =	vor.u32 v56, v54;
	v55 =	vld.idx.msk [tilespmem:v55+s0+$0x0], $0xffff;
	_ =	sdelay $0x1  }
0x116: {  	s30 =	simm.s32 $0x100;
	v59 =	vld.idx.msk [tilespmem:v50+s29+$0x10 ss:$0x1], $0xffff  }
0x117: {  	s31 =	simm.s32 $0x20;
	s0 =	sand.u32 $0xC00, s30  }
0x118: {  	s1 =	sand.u32 $0x60, s31;
	s0 =	sadd.s32 s0, s26  }
0x119: {  	v54 =	vld.idx.msk [tilespmem:v54+s10+$0x0], $0xffff;
	s0 =	sadd.s32 s1, s0;
	vm2 =	vgt.f32 v63, v55  }
0x11a: {  	v58 =	vimm.f32 $0.0e+00;
	v56 =	vld.idx.msk [tilespmem:v50+s0+$0x0 ss:$0x1], $0xffff;
	v60 =	vsel vm2, $0x3F800000, v6  }
0x11b: {  	s5 =	simm.s32 $0x200;
	s2 =	simm.s32 $0x40;
	v57 =	vld.idx.msk [tilespmem:v50+s0+$0x10 ss:$0x1], $0xffff;
	vm2 =	vgt.f32 v59, v55;
	v58 =	vadd.f32 v60, v58  }
.LBB2_22:
0x11c: {  	s0 =	sand.u32 $0xC00, s5  }
0x11d: {  	p1 =	sne.s32 s2, $0x1E0;
	v59 =	vsel vm2, $0x3F800000, v6;
	s1 =	smov.u32 s2;
	s2 =	sadd.s32 $0x20, s2  }
.Ltmp19:
0x11e: {  	s1 =	sand.u32 $0x60, s1;
	s0 =	sadd.s32 s0, s26;
	v58 =	vadd.f32 v59, v58;
	(pc) =	sbr.rel @p1 .LBB2_22-.Ltmp19, $4  }
0x11f: {  	s0 =	sadd.s32 s1, s0  }
0x120: {  	vm2 =	vgt.f32 v56, v55;
	v56 =	vld.idx.msk [tilespmem:v50+s0+$0x0 ss:$0x1], $0xffff  }
0x121: {  	v59 =	vsel vm2, $0x3F800000, v6  }
0x122: {  	s5 =	sadd.s32 $0x100, s5;
	v58 =	vadd.f32 v59, v58;
	vm2 =	vgt.f32 v57, v55;
	v57 =	vld.idx.msk [tilespmem:v50+s0+$0x10 ss:$0x1], $0xffff  }
0x123: {  	_ =	sdelay $0x2  }
0x124: {  	v59 =	vsel vm2, $0x3F800000, v6;
	vm2 =	vgt.f32 v56, v55  }
0x125: {  	v58 =	vadd.f32 v59, v58;
	v56 =	vsel vm2, $0x3F800000, v6;
	vm2 =	vgt.f32 v57, v55  }
0x126: {  	v55 =	vsel vm2, $0x3F800000, v6;
	vm2 =	vne.s32 v53, v0  }
0x127: {  	v56 =	vadd.f32 v56, v58;
	vm1 =	vmand vm1, vm2  }
0x128: {  	v63 =	vsel vm1, $0x3F800000, v6  }
0x129: {  	v55 =	vadd.f32 v55, v56;
	(xrf0) =	vmax.scan.msk.f32 $0xffff, v63;
	_ =	sdelay $0x1  }
0x12a: {  	v62 =	vperm.xlane v55, v1;
	_ =	sdelay $0x1  }
0x12b: {  	v53 =	vadd.f32 v62, v55;
	_ =	sdelay $0x1  }
0x12c: {  	v55 =	vperm.xlane v53, v2;
	v60, _, _ =	vpop (xrf0)  }
0x12d: {  	(v2sf) =	vpush v60, $0xF  }
0x12e: {  	v53 =	vadd.f32 v55, v53;
	_ =	sdelay $0x1  }
0x12f: {  	v61 =	vperm.xlane v53, v4;
	_ =	sdelay $0x1  }
0x130: {  	v53 =	vadd.f32 v61, v53;
	_ =	sdelay $0x1  }
0x131: {  	v62 =	vperm.xlane v53, v5;
	_ =	sdelay $0x1  }
0x132: {  	v53 =	vadd.f32 v62, v53;
	_ =	sdelay $0x1  }
0x133: {  	v53 =	vmul.f32 $9.999999770e-03, v53  }
0x134: {  	v52 =	vcvt.s32.f32 v52  }
0x135: {  	v53 =	vadd.f32 v53, v40  }
0x136: {  	v52 =	vadd.f32 $1.000000000e+00, v52  }
0x137: {  	v63 =	vsub.f32 $1.000000000e+00, v54;
	v53 =	vadd.f32 $5.120000000e+02, v53;
	s0 =	spop (v2sf)  }
0x138: {  	p1 =	sgt.f32 s0, $0.0e+00  }
.Ltmp20:
0x139: {  	v52 =	vmul.f32 v52, v54;
	v53 =	vmul.f32 v53, v63;
	(pc) =	sbr.rel @p1 .LBB2_21-.Ltmp20, $4  }
.Ltmp21:
0x13a: {  	_ = 	snop;
	(pc) =	sbr.rel @!p1 .LBB2_24-.Ltmp21, $4  }
0x13b: {  	v52 =	vadd.f32 v53, v52  }
0x13c: {  	_ = 	snop  }
0x13d: {  	v42 =	vmin.f32 v42, v52  }
0x13e: {  	_ = 	snop  }
.LBB2_25:
0x13f: {  	v43 =	vmpcnt.ones.xlane vm0;
	_ =	sdelay $0x1  }
0x140: {  	vm0 =	vgt.s32 v43, $0x0  }
0x141: {  	v47 =	vsel vm0, $0x3F800000, v6  }
0x142: {  	(xrf0) =	vmin.scan.msk.f32 $0xffff, v47;
	_ =	sdelay $0x5  }
0x143: {  	v47, _, _ =	vpop (xrf0)  }
0x144: {  	(v2sf) =	vpush v47, $0xF;
	_ =	sdelay $0xe  }
0x145: {  	s0 =	spop (v2sf)  }
0x146: {  	p1 =	sgt.f32 s0, $0.0e+00  }
.Ltmp22:
0x147: {  	_ = 	snop;
	(pc) =	sbr.rel @!p1 .LBB2_32-.Ltmp22, $1  }
0x148: {  	_ =	sdelay $0x3  }
.Ltmp23:
0x149: {  	(pc) =	sbr.rel .LBB2_27-.Ltmp23, $4  }
0x14a: {  	_ = 	snop  }
0x14b: {  	v47 =	vshll.u32 v46, $0x9;
	v62 =	vshll.u32 v46, $0x7  }
0x14c: {  	v44 =	vor.u32 v45, v44;
	s0 =	sshll.u32 s24, $0x9;
	v63 =	vand.u32 $0x7000, v47;
	v46 =	vand.u32 $0x380, v62  }
0x14d: {  	s24 =	sand.u32 $0xF000, s0;
	v47 =	vmov s25;
	v45 =	vor.u32 v46, v63;
	v46 =	vimm.s32 $0x0  }
.LBB2_31:
0x14e: {  	v46 =	vadd.s32 $0x1, v46  }
0x14f: {  	vm0 =	vlt.s32 v46, v43  }
0x150: {  	v48 =	vsel vm0, $0x3F800000, v6  }
0x151: {  	(xrf0) =	vmin.scan.msk.f32 $0xffff, v48;
	_ =	sdelay $0x5  }
0x152: {  	v48, _, _ =	vpop (xrf0)  }
0x153: {  	(v2sf) =	vpush v48, $0xF;
	_ =	sdelay $0xe  }
0x154: {  	s0 =	spop (v2sf)  }
0x155: {  	p1 =	sgt.f32 s0, $0.0e+00  }
.Ltmp24:
0x156: {  	_ = 	snop;
	(pc) =	sbr.rel @!p1 .LBB2_32-.Ltmp24, $1  }
0x157: {  	_ =	sdelay $0x3  }
.LBB2_27:
0x158: {  	_ =	sdelay $0x3  }
0x159: {  	v48 =	vld.idx.msk [tilespmem:v46+s14+$0x0], $0xffff;
	_ =	sdelay $0x4  }
0x15a: {  	v48 =	vshll.u32 v48, $0x4  }
0x15b: {  	v49 =	vor.u32 v0, v48;
	_ =	sdelay $0x4  }
0x15c: {  	v49 =	vld.idx.msk [tilespmem:v49+s12+$0x0], $0xffff;
	_ =	sdelay $0x4  }
0x15d: {  	vm0 =	vle.f32 v49, v41  }
0x15e: {  	v49 =	vsel vm0, $0x3F800000, v6  }
0x15f: {  	(xrf0) =	vmax.scan.msk.f32 $0xffff, v49;
	_ =	sdelay $0x5  }
0x160: {  	v49, _, _ =	vpop (xrf0)  }
0x161: {  	(v2sf) =	vpush v49, $0xF;
	_ =	sdelay $0xe  }
0x162: {  	s0 =	spop (v2sf)  }
0x163: {  	p1 =	sgt.f32 s0, $0.0e+00  }
.Ltmp25:
0x164: {  	_ = 	snop;
	(pc) =	sbr.rel @!p1 .LBB2_31-.Ltmp25, $1  }
0x165: {  	_ =	sdelay $0x3  }
.LBB2_28:
0x166: {  	v50 =	vmctz.xlane vm0;
	_ =	sdelay $0x1  }
0x167: {  	v49 =	vadd.s32 v48, v50  }
0x168: {  	v51 =	vshll.u32 v49, $0x3  }
0x169: {  	v51 =	vand.u32 $0xFFFFFC00, v51  }
0x16a: {  	v53 =	vand.u32 $0x7F, v49;
	v52 =	vadd.s32 v44, v51  }
0x16b: {  	s0 =	simm.s32 $0x0;
	v52 =	vor.u32 v53, v52  }
0x16c: {  	s1 =	sand.u32 $0xC00, s0  }
0x16d: {  	s2 =	sand.u32 $0x60, s0;
	s1 =	sadd.s32 s1, s24  }
0x16e: {  	s29 =	sadd.s32 s2, s1  }
0x16f: {  	v63 =	vld.idx.msk [tilespmem:v47+s29+$0x0 ss:$0x1], $0xffff;
	v51 =	vadd.s32 v45, v51  }
0x170: {  	v51 =	vor.u32 v53, v51;
	v52 =	vld.idx.msk [tilespmem:v52+s0+$0x0], $0xffff;
	_ =	sdelay $0x1  }
0x171: {  	s30 =	simm.s32 $0x100;
	v56 =	vld.idx.msk [tilespmem:v47+s29+$0x10 ss:$0x1], $0xffff  }
0x172: {  	s31 =	simm.s32 $0x20;
	s0 =	sand.u32 $0xC00, s30  }
0x173: {  	s1 =	sand.u32 $0x60, s31;
	s0 =	sadd.s32 s0, s24  }
0x174: {  	v51 =	vld.idx.msk [tilespmem:v51+s10+$0x0], $0xffff;
	s0 =	sadd.s32 s1, s0;
	vm1 =	vgt.f32 v63, v52  }
0x175: {  	v55 =	vimm.f32 $0.0e+00;
	v53 =	vld.idx.msk [tilespmem:v47+s0+$0x0 ss:$0x1], $0xffff;
	v57 =	vsel vm1, $0x3F800000, v6  }
0x176: {  	s5 =	simm.s32 $0x200;
	s2 =	simm.s32 $0x40;
	v54 =	vld.idx.msk [tilespmem:v47+s0+$0x10 ss:$0x1], $0xffff;
	vm1 =	vgt.f32 v56, v52;
	v55 =	vadd.f32 v57, v55  }
.LBB2_29:
0x177: {  	s0 =	sand.u32 $0xC00, s5  }
0x178: {  	p1 =	sne.s32 s2, $0x1E0;
	v56 =	vsel vm1, $0x3F800000, v6;
	s1 =	smov.u32 s2;
	s2 =	sadd.s32 $0x20, s2  }
.Ltmp26:
0x179: {  	s1 =	sand.u32 $0x60, s1;
	s0 =	sadd.s32 s0, s24;
	v55 =	vadd.f32 v56, v55;
	(pc) =	sbr.rel @p1 .LBB2_29-.Ltmp26, $4  }
0x17a: {  	s0 =	sadd.s32 s1, s0  }
0x17b: {  	vm1 =	vgt.f32 v53, v52;
	v53 =	vld.idx.msk [tilespmem:v47+s0+$0x0 ss:$0x1], $0xffff  }
0x17c: {  	v56 =	vsel vm1, $0x3F800000, v6  }
0x17d: {  	s5 =	sadd.s32 $0x100, s5;
	v55 =	vadd.f32 v56, v55;
	vm1 =	vgt.f32 v54, v52;
	v54 =	vld.idx.msk [tilespmem:v47+s0+$0x10 ss:$0x1], $0xffff  }
0x17e: {  	_ =	sdelay $0x2  }
0x17f: {  	v56 =	vsel vm1, $0x3F800000, v6;
	vm1 =	vgt.f32 v53, v52  }
0x180: {  	v55 =	vadd.f32 v56, v55;
	v53 =	vsel vm1, $0x3F800000, v6;
	vm1 =	vgt.f32 v54, v52  }
0x181: {  	v52 =	vsel vm1, $0x3F800000, v6;
	vm1 =	vne.s32 v50, v0  }
0x182: {  	v53 =	vadd.f32 v53, v55;
	vm0 =	vmand vm0, vm1  }
0x183: {  	v59 =	vsel vm0, $0x3F800000, v6  }
0x184: {  	v52 =	vadd.f32 v52, v53;
	(xrf0) =	vmax.scan.msk.f32 $0xffff, v59;
	_ =	sdelay $0x1  }
0x185: {  	v58 =	vperm.xlane v52, v1;
	_ =	sdelay $0x1  }
0x186: {  	v50 =	vadd.f32 v58, v52;
	_ =	sdelay $0x1  }
0x187: {  	v52 =	vperm.xlane v50, v2;
	v60, _, _ =	vpop (xrf0)  }
0x188: {  	(v2sf) =	vpush v60, $0xF  }
0x189: {  	v50 =	vadd.f32 v52, v50;
	_ =	sdelay $0x1  }
0x18a: {  	v61 =	vperm.xlane v50, v4;
	_ =	sdelay $0x1  }
0x18b: {  	v50 =	vadd.f32 v61, v50;
	_ =	sdelay $0x1  }
0x18c: {  	v62 =	vperm.xlane v50, v5;
	_ =	sdelay $0x1  }
0x18d: {  	v50 =	vadd.f32 v62, v50;
	_ =	sdelay $0x1  }
0x18e: {  	v50 =	vmul.f32 $9.999999770e-03, v50;
	_ =	sdelay $0x1  }
0x18f: {  	v49 =	vcvt.s32.f32 v49;
	v50 =	vadd.f32 v50, v40  }
0x190: {  	v63 =	vsub.f32 $1.000000000e+00, v51  }
0x191: {  	v49 =	vadd.f32 $1.000000000e+00, v49;
	v50 =	vadd.f32 $5.120000000e+02, v50;
	s0 =	spop (v2sf)  }
0x192: {  	p1 =	sgt.f32 s0, $0.0e+00  }
.Ltmp27:
0x193: {  	v49 =	vmul.f32 v49, v51;
	v50 =	vmul.f32 v50, v63;
	(pc) =	sbr.rel @p1 .LBB2_28-.Ltmp27, $4  }
.Ltmp28:
0x194: {  	_ = 	snop;
	(pc) =	sbr.rel @!p1 .LBB2_31-.Ltmp28, $4  }
0x195: {  	v49 =	vadd.f32 v50, v49  }
0x196: {  	_ = 	snop  }
0x197: {  	v42 =	vmin.f32 v42, v49  }
0x198: {  	_ = 	snop  }
.LBB2_36:
0x199: {  	_ =	sfence.sel $0x180000  }
0x19a: {  	[bflag:$0x0] =	sbarrier.arrive $0xFFFF  }
0x19b: {  	_ =	strace $0x90000047  }
0x19c: {  	s0 =	stileid.u32;
	[bflag:$0x2] =	sbarrier.arrive $0xFFFF  }
0x19d: {  	p0 =	sne.s32 s0, $0x0;
	s0 =	rddreg [dreg:$0x3]  }
0x19e: {  	s0 =	sadd.s32 @!p0 $0x100000, s0  }
0x19f: {  	[sflag:s0] =	ssyncadd.tile.s32 @!p0 $0x1;
	_ =	shalt  }
.Lfunc_end2:
_tile_overlayer_lowered:
.L_overlay_start_2:
0x1a0: {  	(tag) =	ssettag $0x2  }
0x1a1: {  	s0 =	rddreg [dreg:$0x0];
	s2 =	stileid.u32  }
0x1a2: {  	s1 =	rddreg [dreg:$0x1];
	p0 =	sne.s32 s2, $0x0  }
0x1a3: {  	s3 =	rddreg [dreg:$0x2];
	[bflag:$0x3] =	sbarrier.arrive $0xFFFF;
	s2 =	simm.s32 @!p0 $0x1C01  }
0x1a4: {  	[timem:s3], [sflag:s2] =	dma.local @!p0 [hbm:s0], s1  }
0x1a5: {  	s0 =	simm.s32 @!p0 $0x1  }
0x1a6: {  	_ =	swait.ge @!p0 [sflag:s0], s1  }
0x1a7: {  	s1 =	ssub.s32 @!p0 $0x0, s1;
	[sflag:s0] =	ssyncset.done @!p0 $0x0  }
0x1a8: {  	[sflag:s0] =	ssyncadd.s32 @!p0 s1  }
0x1a9: {  	[bflag:$0x3] =	sbarrier.arrive $0xFFFF  }
0x1aa: {  	_ =	shalt  }

</sc_bundles>
